<compile_context>
chip_gen: v7x
topology: tpu7x:2x2x1
jax: 0.10.2.dev20260603
libtpu: 0.0.44.dev20260713+nightly
codegen_flags: <defaults>
</compile_context>

<pallas_src>
import functools

import jax
import jax.numpy as jnp
from jax import lax
from jax.experimental import pallas as pl
from jax.experimental.pallas import tpu as pltpu
from jax.experimental.pallas import tpu_sc as plsc

N = 10000
E = 320000
D = 128
C = 40
NPAD = 10240
CP = 48
NC = 2
NS = 16
NW = NC * NS
CHUNK = 128
CH = 80
KBODY = 5
G = CH
SLABN = CHUNK
EPT = CH * CHUNK
EPAD = NW * EPT
RPT = NPAD // NS

@functools.lru_cache(maxsize=None)
def _sc_kernels():
    mesh = plsc.VectorSubcoreMesh(
        core_axis_name="c", subcore_axis_name="s", num_cores=NC, num_subcores=NS
    )
    params = pltpu.CompilerParams(use_tc_tiling_on_sc=False)

    @functools.partial(
        pl.kernel,
        out_type=jax.ShapeDtypeStruct((NC, NPAD, 8), jnp.float32),
        mesh=mesh,
        scratch_types=[
            pltpu.VMEM((G, SLABN), jnp.int32),
            pltpu.VMEM((SLABN, 8), jnp.float32),
            pltpu.VMEM_SHARED((NPAD, 8), jnp.float32),
        ],
        compiler_params=params,
    )
    def deg_kernel(dst_hbm, ones_hbm, zeros_hbm, out_hbm, idx_v, ones_v, deg_s):
        c = lax.axis_index("c")
        s = lax.axis_index("s")
        wid = c * NS + s
        r0 = s * RPT
        pltpu.sync_copy(zeros_hbm.at[pl.ds(r0, RPT)], deg_s.at[pl.ds(r0, RPT)])
        pltpu.sync_copy(ones_hbm, ones_v)
        pltpu.sync_copy(dst_hbm.at[wid], idx_v)
        plsc.subcore_barrier()

        def body(g, carry):
            pltpu.sync_copy(ones_v, deg_s.at[idx_v.at[g]], add=True)
            return carry

        lax.fori_loop(0, G, body, 0)
        plsc.subcore_barrier()
        pl.delay(8192)
        plsc.subcore_barrier()
        pltpu.sync_copy(deg_s.at[pl.ds(r0, RPT)], out_hbm.at[c, pl.ds(r0, RPT)])

    @functools.partial(
        pl.kernel,
        out_type=jax.ShapeDtypeStruct((NC, NPAD, CP), jnp.float32),
        mesh=mesh,
        scratch_types=[
            pltpu.VMEM((G, SLABN), jnp.int32),
            pltpu.VMEM((G, SLABN), jnp.int32),
            pltpu.VMEM((2, SLABN, CP), jnp.float32),
            pltpu.VMEM_SHARED((NPAD, CP), jnp.float32),
            pltpu.SemaphoreType.DMA((2,)),
        ],
        compiler_params=params,
    )
    def hop_kernel(t_hbm, src_hbm, dst_hbm, zeros_hbm, out_hbm,
                   sidx_v, didx_v, rows_v, acc_s, gsem):
        c = lax.axis_index("c")
        s = lax.axis_index("s")
        wid = c * NS + s
        r0 = s * RPT
        pltpu.sync_copy(zeros_hbm.at[pl.ds(r0, RPT)], acc_s.at[pl.ds(r0, RPT)])
        pltpu.sync_copy(src_hbm.at[wid], sidx_v)
        pltpu.sync_copy(dst_hbm.at[wid], didx_v)
        plsc.subcore_barrier()

        def body(g, carry):
            base = g * KBODY
            descs = [None] * KBODY
            descs[0] = pltpu.async_copy(
                t_hbm.at[sidx_v.at[base]], rows_v.at[0], gsem.at[0]
            )
            descs[1] = pltpu.async_copy(
                t_hbm.at[sidx_v.at[base + 1]], rows_v.at[1], gsem.at[1]
            )
            for i in range(KBODY):
                p = i % 2
                descs[i].wait()
                pltpu.sync_copy(
                    rows_v.at[p], acc_s.at[didx_v.at[base + i]], add=True
                )
                if i + 2 < KBODY:
                    descs[i + 2] = pltpu.async_copy(
                        t_hbm.at[sidx_v.at[base + i + 2]], rows_v.at[p],
                        gsem.at[p],
                    )
            return carry

        lax.fori_loop(0, G // KBODY, body, 0)
        plsc.subcore_barrier()
        pl.delay(8192)
        plsc.subcore_barrier()
        pltpu.sync_copy(acc_s.at[pl.ds(r0, RPT)], out_hbm.at[c, pl.ds(r0, RPT)])

    return deg_kernel, hop_kernel


def _fold_body(degp, x, w, t0, dinvb, invdb):
    deg = degp[0, :, 0:1] + degp[1, :, 0:1] + 1.0
    dinv = lax.rsqrt(deg)
    invd = 1.0 / deg
    dinvb[...] = jnp.broadcast_to(dinv, (NPAD, CP))
    invdb[...] = jnp.broadcast_to(invd, (NPAD, CP))
    t0[...] = dinv * jnp.dot(x[...], w[...], preferred_element_type=jnp.float32)


def _comb_body(p, t0, invdb, t1):
    t1[...] = invdb[...] * (p[0] + p[1] + t0[...])


def _final_body(q, t1, dinvb, b, out):
    o = dinvb[...] * (q[0] + q[1] + t1[...]) + b[...]
    col = lax.broadcasted_iota(jnp.int32, (NPAD, CP), 1)
    om = jnp.where(col < C, o, -1e30)
    m = jnp.max(om, axis=1, keepdims=True)
    ssum = jnp.sum(jnp.exp(om - m), axis=1, keepdims=True)
    out[...] = om - m - jnp.log(ssum)


_fold = pl.pallas_call(
    _fold_body,
    out_shape=[
        jax.ShapeDtypeStruct((NPAD, CP), jnp.float32),
        jax.ShapeDtypeStruct((NPAD, CP), jnp.float32),
        jax.ShapeDtypeStruct((NPAD, CP), jnp.float32),
    ],
)

_comb = pl.pallas_call(
    _comb_body,
    out_shape=jax.ShapeDtypeStruct((NPAD, CP), jnp.float32),
)

_final = pl.pallas_call(
    _final_body,
    out_shape=jax.ShapeDtypeStruct((NPAD, CP), jnp.float32),
)


def kernel(x, edge_index, W, b):
    ei = edge_index.astype(jnp.int32)
    src = jnp.concatenate([ei[0], jnp.zeros((EPAD - E,), jnp.int32)])
    dst = jnp.concatenate([ei[1], jnp.full((EPAD - E,), NPAD - 1, jnp.int32)])
    src3 = src.reshape(NW, G, SLABN)
    dst3 = dst.reshape(NW, G, SLABN)

    x_p = jnp.zeros((NPAD, D), jnp.float32).at[:N].set(x)
    W_p = jnp.zeros((D, CP), jnp.float32).at[:, :C].set(W)
    b_p = jnp.zeros((1, CP), jnp.float32).at[0, :C].set(b)
    ones1 = jnp.ones((SLABN, 8), jnp.float32)
    zeros_n1 = jnp.zeros((NPAD, 8), jnp.float32)
    zeros_nc = jnp.zeros((NPAD, CP), jnp.float32)

    deg_k, hop_k = _sc_kernels()
    degp = deg_k(dst3, ones1, zeros_n1)
    t0, dinvb, invdb = _fold(degp, x_p, W_p)
    p = hop_k(t0, src3, dst3, zeros_nc)
    t1 = _comb(p, t0, invdb)
    q = hop_k(t1, src3, dst3, zeros_nc)
    out = _final(q, t1, dinvb, b_p)
    return out[:N, :C]

# --- scband reference (transcript-rebuilt; emitter-appended) ---
"""Pipeline reference for scband-net-11862699671772 (READ-ONLY COPY).

The authoritative reference and input builder live on the scoring server;
editing this copy changes nothing except your own understanding.
"""

import jax, jax.numpy as jnp
import numpy as np

N_NODES = 10000
N_EDGES = 320000
D_FEAT = 128
N_CLASSES = 40
K_HOPS = 2


def setup_inputs(seed: int = 0) -> dict:
    key = jax.random.key(seed)
    k1, k2, k3 = jax.random.split(key, 3)
    x = jax.random.normal(k1, (N_NODES, D_FEAT), dtype=jnp.float32)
    edge_index = jax.random.randint(k2, (2, N_EDGES), 0, N_NODES, dtype=jnp.int64)
    W = jax.random.normal(k3, (D_FEAT, N_CLASSES), dtype=jnp.float32) * (1.0 / np.sqrt(D_FEAT))
    b = jnp.zeros((N_CLASSES,), dtype=jnp.float32)
    return {"x": x, "edge_index": edge_index, "W": W, "b": b}


def reference(x, edge_index, W, b):
    # SGConv: x' = (D^-1/2 (A+I) D^-1/2)^K x, then linear, then log_softmax
    N = x.shape[0]
    src = edge_index[0]
    dst = edge_index[1]
    loop = jnp.arange(N, dtype=edge_index.dtype)
    src = jnp.concatenate([src, loop])
    dst = jnp.concatenate([dst, loop])
    # symmetric gcn normalization
    deg = jnp.zeros((N,), dtype=x.dtype).at[dst].add(1.0)
    deg_inv_sqrt = jnp.where(deg > 0, deg ** -0.5, 0.0)
    norm = deg_inv_sqrt[src] * deg_inv_sqrt[dst]
    h = x
    for _ in range(K_HOPS):
        msg = h[src] * norm[:, None]
        h = jax.ops.segment_sum(msg, dst, num_segments=N)
    out = h @ W + b
    return jax.nn.log_softmax(out, axis=1)

if __name__ == "__main__":
    import jax
    _d = setup_inputs()
    print(jax.jit(kernel)(*tuple(_d.values())))

</pallas_src>

<mosaic_0001>
#map = affine_map<(d0, d1) -> (0, 0)>
#map1 = affine_map<(d0, d1) -> (0, 0, 0)>
module attributes {stable_mosaic.version = 14 : i64} {
  func.func @hop_kernel(%arg0: i32, %arg1: i32, %arg2: memref<10240x48xf32, #tpu.memory_space<hbm>>, %arg3: memref<32x80x128xi32, #tpu.memory_space<hbm>>, %arg4: memref<32x80x128xi32, #tpu.memory_space<hbm>>, %arg5: memref<10240x48xf32, #tpu.memory_space<hbm>>, %arg6: memref<2x10240x48xf32, #tpu.memory_space<hbm>>, %arg7: memref<80x128xi32, #tpu.memory_space<vmem>>, %arg8: memref<80x128xi32, #tpu.memory_space<vmem>>, %arg9: memref<2x128x48xf32, #tpu.memory_space<vmem>>, %arg10: memref<10240x48xf32, #tpu.memory_space<vmem_shared>>, %arg11: memref<2x!tpu.dma_semaphore, #tpu.memory_space<semaphore_mem>>) attributes {dimension_semantics = [#tpu.dimension_semantics<core_parallel>, #tpu.dimension_semantics<subcore_parallel>], iteration_bounds = array<i64: 2, 16>, scalar_prefetch = 0 : i64, scratch_operands = 5 : i64, tpu.core_type = #tpu.core_type<sc_vector_subcore>, window_params = [{transform_indices = #map}, {transform_indices = #map1}, {transform_indices = #map1}, {transform_indices = #map}, {transform_indices = #map1}]} {
    %mul3A = arith.constant 16 : i32
    %mul3A_0 = arith.muli %arg0, %mul3A : i32
    %add3A = arith.addi %mul3A_0, %arg1 : i32
    %mul3A_1 = arith.constant 640 : i32
    %mul3A_2 = arith.muli %arg1, %mul3A_1 : i32
    "tpu.region"() ({
      %run_scoped3A = tpu.sem_alloc : memref<!tpu.dma_semaphore, #tpu.memory_space<semaphore_mem>>
      %dma_start3A = arith.constant 0 : i32
      %dma_start3A_10 = tpu.memref_slice %arg10[%mul3A_2, %dma_start3A] : memref<10240x48xf32, #tpu.memory_space<vmem_shared>> -> memref<640x48xf32, #tpu.memory_space<vmem_shared>>
      %dma_start3A_11 = arith.constant 0 : i32
      %dma_start3A_12 = tpu.memref_slice %arg5[%mul3A_2, %dma_start3A_11] : memref<10240x48xf32, #tpu.memory_space<hbm>> -> memref<640x48xf32, #tpu.memory_space<hbm>>
      tpu.enqueue_dma source(%dma_start3A_12 : memref<640x48xf32, #tpu.memory_space<hbm>>) target(%dma_start3A_10 : memref<640x48xf32, #tpu.memory_space<vmem_shared>>) target_semaphore(%run_scoped3A : memref<!tpu.dma_semaphore, #tpu.memory_space<semaphore_mem>>)
      %dma_wait3A = arith.constant 0 : i32
      %dma_wait3A_13 = tpu.memref_slice %arg10[%mul3A_2, %dma_wait3A] : memref<10240x48xf32, #tpu.memory_space<vmem_shared>> -> memref<640x48xf32, #tpu.memory_space<vmem_shared>>
      %dma_wait3A_14 = arith.constant 0 : i32
      %dma_wait3A_15 = tpu.memref_slice %arg5[%mul3A_2, %dma_wait3A_14] : memref<10240x48xf32, #tpu.memory_space<hbm>> -> memref<640x48xf32, #tpu.memory_space<hbm>>
      tpu.wait_dma2 semaphore(%run_scoped3A : memref<!tpu.dma_semaphore, #tpu.memory_space<semaphore_mem>>) src(%dma_wait3A_15 : memref<640x48xf32, #tpu.memory_space<hbm>>) dst(%dma_wait3A_13 : memref<640x48xf32, #tpu.memory_space<vmem_shared>>)
      tpu.yield
    }) : () -> ()
    "tpu.region"() ({
      %run_scoped3A = tpu.sem_alloc : memref<!tpu.dma_semaphore, #tpu.memory_space<semaphore_mem>>
      %dma_start3A = arith.constant 0 : i32
      %dma_start3A_10 = arith.constant 0 : i32
      %dma_start3A_11 = tpu.memref_slice %arg3[%add3A, %dma_start3A, %dma_start3A_10] : memref<32x80x128xi32, #tpu.memory_space<hbm>> -> memref<1x80x128xi32, #tpu.memory_space<hbm>>
      %dma_start3A_12 = tpu.memref_squeeze %dma_start3A_11 : memref<1x80x128xi32, #tpu.memory_space<hbm>> -> memref<80x128xi32, #tpu.memory_space<hbm>>
      %dma_start3A_13 = arith.constant 0 : i32
      %dma_start3A_14 = arith.constant 0 : i32
      %dma_start3A_15 = tpu.memref_slice %arg3[%add3A, %dma_start3A_13, %dma_start3A_14] : memref<32x80x128xi32, #tpu.memory_space<hbm>> -> memref<1x80x128xi32, #tpu.memory_space<hbm>>
      %dma_start3A_16 = tpu.memref_squeeze %dma_start3A_15 : memref<1x80x128xi32, #tpu.memory_space<hbm>> -> memref<80x128xi32, #tpu.memory_space<hbm>>
      tpu.enqueue_dma source(%dma_start3A_16 : memref<80x128xi32, #tpu.memory_space<hbm>>) target(%arg7 : memref<80x128xi32, #tpu.memory_space<vmem>>) target_semaphore(%run_scoped3A : memref<!tpu.dma_semaphore, #tpu.memory_space<semaphore_mem>>)
      %dma_wait3A = arith.constant 0 : i32
      %dma_wait3A_17 = arith.constant 0 : i32
      %dma_wait3A_18 = tpu.memref_slice %arg3[%add3A, %dma_wait3A, %dma_wait3A_17] : memref<32x80x128xi32, #tpu.memory_space<hbm>> -> memref<1x80x128xi32, #tpu.memory_space<hbm>>
      %dma_wait3A_19 = tpu.memref_squeeze %dma_wait3A_18 : memref<1x80x128xi32, #tpu.memory_space<hbm>> -> memref<80x128xi32, #tpu.memory_space<hbm>>
      %dma_wait3A_20 = arith.constant 0 : i32
      %dma_wait3A_21 = arith.constant 0 : i32
      %dma_wait3A_22 = tpu.memref_slice %arg3[%add3A, %dma_wait3A_20, %dma_wait3A_21] : memref<32x80x128xi32, #tpu.memory_space<hbm>> -> memref<1x80x128xi32, #tpu.memory_space<hbm>>
      %dma_wait3A_23 = tpu.memref_squeeze %dma_wait3A_22 : memref<1x80x128xi32, #tpu.memory_space<hbm>> -> memref<80x128xi32, #tpu.memory_space<hbm>>
      tpu.wait_dma2 semaphore(%run_scoped3A : memref<!tpu.dma_semaphore, #tpu.memory_space<semaphore_mem>>) src(%dma_wait3A_23 : memref<80x128xi32, #tpu.memory_space<hbm>>) dst(%arg7 : memref<80x128xi32, #tpu.memory_space<vmem>>)
      tpu.yield
    }) : () -> ()
    "tpu.region"() ({
      %run_scoped3A = tpu.sem_alloc : memref<!tpu.dma_semaphore, #tpu.memory_space<semaphore_mem>>
      %dma_start3A = arith.constant 0 : i32
      %dma_start3A_10 = arith.constant 0 : i32
      %dma_start3A_11 = tpu.memref_slice %arg4[%add3A, %dma_start3A, %dma_start3A_10] : memref<32x80x128xi32, #tpu.memory_space<hbm>> -> memref<1x80x128xi32, #tpu.memory_space<hbm>>
      %dma_start3A_12 = tpu.memref_squeeze %dma_start3A_11 : memref<1x80x128xi32, #tpu.memory_space<hbm>> -> memref<80x128xi32, #tpu.memory_space<hbm>>
      %dma_start3A_13 = arith.constant 0 : i32
      %dma_start3A_14 = arith.constant 0 : i32
      %dma_start3A_15 = tpu.memref_slice %arg4[%add3A, %dma_start3A_13, %dma_start3A_14] : memref<32x80x128xi32, #tpu.memory_space<hbm>> -> memref<1x80x128xi32, #tpu.memory_space<hbm>>
      %dma_start3A_16 = tpu.memref_squeeze %dma_start3A_15 : memref<1x80x128xi32, #tpu.memory_space<hbm>> -> memref<80x128xi32, #tpu.memory_space<hbm>>
      tpu.enqueue_dma source(%dma_start3A_16 : memref<80x128xi32, #tpu.memory_space<hbm>>) target(%arg8 : memref<80x128xi32, #tpu.memory_space<vmem>>) target_semaphore(%run_scoped3A : memref<!tpu.dma_semaphore, #tpu.memory_space<semaphore_mem>>)
      %dma_wait3A = arith.constant 0 : i32
      %dma_wait3A_17 = arith.constant 0 : i32
      %dma_wait3A_18 = tpu.memref_slice %arg4[%add3A, %dma_wait3A, %dma_wait3A_17] : memref<32x80x128xi32, #tpu.memory_space<hbm>> -> memref<1x80x128xi32, #tpu.memory_space<hbm>>
      %dma_wait3A_19 = tpu.memref_squeeze %dma_wait3A_18 : memref<1x80x128xi32, #tpu.memory_space<hbm>> -> memref<80x128xi32, #tpu.memory_space<hbm>>
      %dma_wait3A_20 = arith.constant 0 : i32
      %dma_wait3A_21 = arith.constant 0 : i32
      %dma_wait3A_22 = tpu.memref_slice %arg4[%add3A, %dma_wait3A_20, %dma_wait3A_21] : memref<32x80x128xi32, #tpu.memory_space<hbm>> -> memref<1x80x128xi32, #tpu.memory_space<hbm>>
      %dma_wait3A_23 = tpu.memref_squeeze %dma_wait3A_22 : memref<1x80x128xi32, #tpu.memory_space<hbm>> -> memref<80x128xi32, #tpu.memory_space<hbm>>
      tpu.wait_dma2 semaphore(%run_scoped3A : memref<!tpu.dma_semaphore, #tpu.memory_space<semaphore_mem>>) src(%dma_wait3A_23 : memref<80x128xi32, #tpu.memory_space<hbm>>) dst(%arg8 : memref<80x128xi32, #tpu.memory_space<vmem>>)
      tpu.yield
    }) : () -> ()
    %barrier3A = arith.constant 0 : index
    tpu.barrier barrier_id(%barrier3A)
    %scan3A = arith.constant 0 : i32
    %scan3A_3 = arith.constant 0 : i32
    %scan3A_4 = arith.constant 16 : i32
    %scan3A_5 = arith.addi %scan3A_3, %scan3A_4 : i32
    %scan3A_6 = arith.constant 1 : i32
    scf.for %scan3A_10 = %scan3A_3 to %scan3A_5 step %scan3A_6  : i32 {
      %mul3A_11 = arith.constant 5 : i32
      %mul3A_12 = arith.muli %scan3A_10, %mul3A_11 : i32
      %dma_start3A = arith.constant 0 : i32
      %dma_start3A_13 = arith.constant 0 : i32
      %dma_start3A_14 = arith.constant 0 : i32
      %dma_start3A_15 = arith.constant 0 : i32
      %dma_start3A_16 = tpu.memref_slice %arg9[%dma_start3A, %dma_start3A_14, %dma_start3A_15] : memref<2x128x48xf32, #tpu.memory_space<vmem>> -> memref<1x128x48xf32, #tpu.memory_space<vmem>>
      %dma_start3A_17 = tpu.memref_squeeze %dma_start3A_16 : memref<1x128x48xf32, #tpu.memory_space<vmem>> -> memref<128x48xf32, #tpu.memory_space<vmem>>
      %dma_start3A_18 = arith.constant 0 : i32
      %dma_start3A_19 = tpu.memref_slice %arg7[%mul3A_12, %dma_start3A_18] : memref<80x128xi32, #tpu.memory_space<vmem>> -> memref<1x128xi32, #tpu.memory_space<vmem>>
      %dma_start3A_20 = tpu.memref_squeeze %dma_start3A_19 : memref<1x128xi32, #tpu.memory_space<vmem>> -> memref<128xi32, #tpu.memory_space<vmem>>
      %dma_start3A_21 = arith.constant 0 : i32
      %dma_start3A_22 = arith.constant 0 : i32
      %dma_start3A_23 = tpu.memref_slice %arg2[%dma_start3A_21, %dma_start3A_22] : memref<10240x48xf32, #tpu.memory_space<hbm>> -> memref<10240x48xf32, #tpu.memory_space<hbm>>
      %dma_start3A_24 = tpu.memref_slice %arg11[%dma_start3A_13] : memref<2x!tpu.dma_semaphore, #tpu.memory_space<semaphore_mem>> -> memref<1x!tpu.dma_semaphore, #tpu.memory_space<semaphore_mem>>
      %dma_start3A_25 = tpu.memref_squeeze %dma_start3A_24 : memref<1x!tpu.dma_semaphore, #tpu.memory_space<semaphore_mem>> -> memref<!tpu.dma_semaphore, #tpu.memory_space<semaphore_mem>>
      tpu.enqueue_indirect_dma source(%dma_start3A_23 : memref<10240x48xf32, #tpu.memory_space<hbm>>) target(%dma_start3A_17 : memref<128x48xf32, #tpu.memory_space<vmem>>) offsets(%dma_start3A_20 : memref<128xi32, #tpu.memory_space<vmem>>) semaphore(%dma_start3A_25 : memref<!tpu.dma_semaphore, #tpu.memory_space<semaphore_mem>>)
      %add3A_26 = arith.constant 1 : i32
      %add3A_27 = arith.addi %mul3A_12, %add3A_26 : i32
      %dma_start3A_28 = arith.constant 1 : i32
      %dma_start3A_29 = arith.constant 1 : i32
      %dma_start3A_30 = arith.constant 0 : i32
      %dma_start3A_31 = arith.constant 0 : i32
      %dma_start3A_32 = tpu.memref_slice %arg9[%dma_start3A_28, %dma_start3A_30, %dma_start3A_31] : memref<2x128x48xf32, #tpu.memory_space<vmem>> -> memref<1x128x48xf32, #tpu.memory_space<vmem>>
      %dma_start3A_33 = tpu.memref_squeeze %dma_start3A_32 : memref<1x128x48xf32, #tpu.memory_space<vmem>> -> memref<128x48xf32, #tpu.memory_space<vmem>>
      %dma_start3A_34 = arith.constant 0 : i32
      %dma_start3A_35 = tpu.memref_slice %arg7[%add3A_27, %dma_start3A_34] : memref<80x128xi32, #tpu.memory_space<vmem>> -> memref<1x128xi32, #tpu.memory_space<vmem>>
      %dma_start3A_36 = tpu.memref_squeeze %dma_start3A_35 : memref<1x128xi32, #tpu.memory_space<vmem>> -> memref<128xi32, #tpu.memory_space<vmem>>
      %dma_start3A_37 = arith.constant 0 : i32
      %dma_start3A_38 = arith.constant 0 : i32
      %dma_start3A_39 = tpu.memref_slice %arg2[%dma_start3A_37, %dma_start3A_38] : memref<10240x48xf32, #tpu.memory_space<hbm>> -> memref<10240x48xf32, #tpu.memory_space<hbm>>
      %dma_start3A_40 = tpu.memref_slice %arg11[%dma_start3A_29] : memref<2x!tpu.dma_semaphore, #tpu.memory_space<semaphore_mem>> -> memref<1x!tpu.dma_semaphore, #tpu.memory_space<semaphore_mem>>
      %dma_start3A_41 = tpu.memref_squeeze %dma_start3A_40 : memref<1x!tpu.dma_semaphore, #tpu.memory_space<semaphore_mem>> -> memref<!tpu.dma_semaphore, #tpu.memory_space<semaphore_mem>>
      tpu.enqueue_indirect_dma source(%dma_start3A_39 : memref<10240x48xf32, #tpu.memory_space<hbm>>) target(%dma_start3A_33 : memref<128x48xf32, #tpu.memory_space<vmem>>) offsets(%dma_start3A_36 : memref<128xi32, #tpu.memory_space<vmem>>) semaphore(%dma_start3A_41 : memref<!tpu.dma_semaphore, #tpu.memory_space<semaphore_mem>>)
      %dma_wait3A = arith.constant 0 : i32
      %dma_wait3A_42 = arith.constant 0 : i32
      %dma_wait3A_43 = arith.constant 0 : i32
      %dma_wait3A_44 = arith.constant 0 : i32
      %dma_wait3A_45 = tpu.memref_slice %arg9[%dma_wait3A, %dma_wait3A_43, %dma_wait3A_44] : memref<2x128x48xf32, #tpu.memory_space<vmem>> -> memref<1x128x48xf32, #tpu.memory_space<vmem>>
      %dma_wait3A_46 = tpu.memref_squeeze %dma_wait3A_45 : memref<1x128x48xf32, #tpu.memory_space<vmem>> -> memref<128x48xf32, #tpu.memory_space<vmem>>
      %dma_wait3A_47 = arith.constant 0 : i32
      %dma_wait3A_48 = tpu.memref_slice %arg7[%mul3A_12, %dma_wait3A_47] : memref<80x128xi32, #tpu.memory_space<vmem>> -> memref<1x128xi32, #tpu.memory_space<vmem>>
      %dma_wait3A_49 = tpu.memref_squeeze %dma_wait3A_48 : memref<1x128xi32, #tpu.memory_space<vmem>> -> memref<128xi32, #tpu.memory_space<vmem>>
      %dma_wait3A_50 = arith.constant 0 : i32
      %dma_wait3A_51 = arith.constant 0 : i32
      %dma_wait3A_52 = tpu.memref_slice %arg2[%dma_wait3A_50, %dma_wait3A_51] : memref<10240x48xf32, #tpu.memory_space<hbm>> -> memref<10240x48xf32, #tpu.memory_space<hbm>>
      %dma_wait3A_53 = tpu.memref_slice %arg11[%dma_wait3A_42] : memref<2x!tpu.dma_semaphore, #tpu.memory_space<semaphore_mem>> -> memref<1x!tpu.dma_semaphore, #tpu.memory_space<semaphore_mem>>
      %dma_wait3A_54 = tpu.memref_squeeze %dma_wait3A_53 : memref<1x!tpu.dma_semaphore, #tpu.memory_space<semaphore_mem>> -> memref<!tpu.dma_semaphore, #tpu.memory_space<semaphore_mem>>
      tpu.wait_indirect_dma semaphore(%dma_wait3A_54 : memref<!tpu.dma_semaphore, #tpu.memory_space<semaphore_mem>>) src(%dma_wait3A_52 : memref<10240x48xf32, #tpu.memory_space<hbm>>) dst(%dma_wait3A_46 : memref<128x48xf32, #tpu.memory_space<vmem>>)
      %add3A_55 = arith.constant 0 : i32
      %add3A_56 = arith.addi %mul3A_12, %add3A_55 : i32
      %run_scoped3A = arith.constant 0 : i32
      "tpu.region"() ({
        %run_scoped3A_179 = tpu.sem_alloc : memref<!tpu.dma_semaphore, #tpu.memory_space<semaphore_mem>>
        %dma_start3A_180 = arith.constant 0 : i32
        %dma_start3A_181 = arith.constant 0 : i32
        %dma_start3A_182 = tpu.memref_slice %arg9[%run_scoped3A, %dma_start3A_180, %dma_start3A_181] : memref<2x128x48xf32, #tpu.memory_space<vmem>> -> memref<1x128x48xf32, #tpu.memory_space<vmem>>
        %dma_start3A_183 = tpu.memref_squeeze %dma_start3A_182 : memref<1x128x48xf32, #tpu.memory_space<vmem>> -> memref<128x48xf32, #tpu.memory_space<vmem>>
        %dma_start3A_184 = arith.constant 0 : i32
        %dma_start3A_185 = tpu.memref_slice %arg8[%add3A_56, %dma_start3A_184] : memref<80x128xi32, #tpu.memory_space<vmem>> -> memref<1x128xi32, #tpu.memory_space<vmem>>
        %dma_start3A_186 = tpu.memref_squeeze %dma_start3A_185 : memref<1x128xi32, #tpu.memory_space<vmem>> -> memref<128xi32, #tpu.memory_space<vmem>>
        %dma_start3A_187 = arith.constant 0 : i32
        %dma_start3A_188 = arith.constant 0 : i32
        %dma_start3A_189 = tpu.memref_slice %arg10[%dma_start3A_187, %dma_start3A_188] : memref<10240x48xf32, #tpu.memory_space<vmem_shared>> -> memref<10240x48xf32, #tpu.memory_space<vmem_shared>>
        tpu.enqueue_indirect_dma source(%dma_start3A_183 : memref<128x48xf32, #tpu.memory_space<vmem>>) target(%dma_start3A_189 : memref<10240x48xf32, #tpu.memory_space<vmem_shared>>) offsets(%dma_start3A_186 : memref<128xi32, #tpu.memory_space<vmem>>) semaphore(%run_scoped3A_179 : memref<!tpu.dma_semaphore, #tpu.memory_space<semaphore_mem>>) {add = true}
        %dma_wait3A_190 = arith.constant 0 : i32
        %dma_wait3A_191 = arith.constant 0 : i32
        %dma_wait3A_192 = tpu.memref_slice %arg9[%run_scoped3A, %dma_wait3A_190, %dma_wait3A_191] : memref<2x128x48xf32, #tpu.memory_space<vmem>> -> memref<1x128x48xf32, #tpu.memory_space<vmem>>
        %dma_wait3A_193 = tpu.memref_squeeze %dma_wait3A_192 : memref<1x128x48xf32, #tpu.memory_space<vmem>> -> memref<128x48xf32, #tpu.memory_space<vmem>>
        %dma_wait3A_194 = arith.constant 0 : i32
        %dma_wait3A_195 = tpu.memref_slice %arg8[%add3A_56, %dma_wait3A_194] : memref<80x128xi32, #tpu.memory_space<vmem>> -> memref<1x128xi32, #tpu.memory_space<vmem>>
        %dma_wait3A_196 = tpu.memref_squeeze %dma_wait3A_195 : memref<1x128xi32, #tpu.memory_space<vmem>> -> memref<128xi32, #tpu.memory_space<vmem>>
        %dma_wait3A_197 = arith.constant 0 : i32
        %dma_wait3A_198 = arith.constant 0 : i32
        %dma_wait3A_199 = tpu.memref_slice %arg10[%dma_wait3A_197, %dma_wait3A_198] : memref<10240x48xf32, #tpu.memory_space<vmem_shared>> -> memref<10240x48xf32, #tpu.memory_space<vmem_shared>>
        tpu.wait_indirect_dma semaphore(%run_scoped3A_179 : memref<!tpu.dma_semaphore, #tpu.memory_space<semaphore_mem>>) src(%dma_wait3A_193 : memref<128x48xf32, #tpu.memory_space<vmem>>) dst(%dma_wait3A_199 : memref<10240x48xf32, #tpu.memory_space<vmem_shared>>)
        tpu.yield
      }) : () -> ()
      %add3A_57 = arith.constant 0 : i32
      %add3A_58 = arith.addi %mul3A_12, %add3A_57 : i32
      %add3A_59 = arith.constant 2 : i32
      %add3A_60 = arith.addi %add3A_58, %add3A_59 : i32
      %dma_start3A_61 = arith.constant 0 : i32
      %dma_start3A_62 = arith.constant 0 : i32
      %dma_start3A_63 = arith.constant 0 : i32
      %dma_start3A_64 = arith.constant 0 : i32
      %dma_start3A_65 = tpu.memref_slice %arg9[%dma_start3A_61, %dma_start3A_63, %dma_start3A_64] : memref<2x128x48xf32, #tpu.memory_space<vmem>> -> memref<1x128x48xf32, #tpu.memory_space<vmem>>
      %dma_start3A_66 = tpu.memref_squeeze %dma_start3A_65 : memref<1x128x48xf32, #tpu.memory_space<vmem>> -> memref<128x48xf32, #tpu.memory_space<vmem>>
      %dma_start3A_67 = arith.constant 0 : i32
      %dma_start3A_68 = tpu.memref_slice %arg7[%add3A_60, %dma_start3A_67] : memref<80x128xi32, #tpu.memory_space<vmem>> -> memref<1x128xi32, #tpu.memory_space<vmem>>
      %dma_start3A_69 = tpu.memref_squeeze %dma_start3A_68 : memref<1x128xi32, #tpu.memory_space<vmem>> -> memref<128xi32, #tpu.memory_space<vmem>>
      %dma_start3A_70 = arith.constant 0 : i32
      %dma_start3A_71 = arith.constant 0 : i32
      %dma_start3A_72 = tpu.memref_slice %arg2[%dma_start3A_70, %dma_start3A_71] : memref<10240x48xf32, #tpu.memory_space<hbm>> -> memref<10240x48xf32, #tpu.memory_space<hbm>>
      %dma_start3A_73 = tpu.memref_slice %arg11[%dma_start3A_62] : memref<2x!tpu.dma_semaphore, #tpu.memory_space<semaphore_mem>> -> memref<1x!tpu.dma_semaphore, #tpu.memory_space<semaphore_mem>>
      %dma_start3A_74 = tpu.memref_squeeze %dma_start3A_73 : memref<1x!tpu.dma_semaphore, #tpu.memory_space<semaphore_mem>> -> memref<!tpu.dma_semaphore, #tpu.memory_space<semaphore_mem>>
      tpu.enqueue_indirect_dma source(%dma_start3A_72 : memref<10240x48xf32, #tpu.memory_space<hbm>>) target(%dma_start3A_66 : memref<128x48xf32, #tpu.memory_space<vmem>>) offsets(%dma_start3A_69 : memref<128xi32, #tpu.memory_space<vmem>>) semaphore(%dma_start3A_74 : memref<!tpu.dma_semaphore, #tpu.memory_space<semaphore_mem>>)
      %dma_wait3A_75 = arith.constant 1 : i32
      %dma_wait3A_76 = arith.constant 1 : i32
      %dma_wait3A_77 = arith.constant 0 : i32
      %dma_wait3A_78 = arith.constant 0 : i32
      %dma_wait3A_79 = tpu.memref_slice %arg9[%dma_wait3A_75, %dma_wait3A_77, %dma_wait3A_78] : memref<2x128x48xf32, #tpu.memory_space<vmem>> -> memref<1x128x48xf32, #tpu.memory_space<vmem>>
      %dma_wait3A_80 = tpu.memref_squeeze %dma_wait3A_79 : memref<1x128x48xf32, #tpu.memory_space<vmem>> -> memref<128x48xf32, #tpu.memory_space<vmem>>
      %dma_wait3A_81 = arith.constant 0 : i32
      %dma_wait3A_82 = tpu.memref_slice %arg7[%add3A_27, %dma_wait3A_81] : memref<80x128xi32, #tpu.memory_space<vmem>> -> memref<1x128xi32, #tpu.memory_space<vmem>>
      %dma_wait3A_83 = tpu.memref_squeeze %dma_wait3A_82 : memref<1x128xi32, #tpu.memory_space<vmem>> -> memref<128xi32, #tpu.memory_space<vmem>>
      %dma_wait3A_84 = arith.constant 0 : i32
      %dma_wait3A_85 = arith.constant 0 : i32
      %dma_wait3A_86 = tpu.memref_slice %arg2[%dma_wait3A_84, %dma_wait3A_85] : memref<10240x48xf32, #tpu.memory_space<hbm>> -> memref<10240x48xf32, #tpu.memory_space<hbm>>
      %dma_wait3A_87 = tpu.memref_slice %arg11[%dma_wait3A_76] : memref<2x!tpu.dma_semaphore, #tpu.memory_space<semaphore_mem>> -> memref<1x!tpu.dma_semaphore, #tpu.memory_space<semaphore_mem>>
      %dma_wait3A_88 = tpu.memref_squeeze %dma_wait3A_87 : memref<1x!tpu.dma_semaphore, #tpu.memory_space<semaphore_mem>> -> memref<!tpu.dma_semaphore, #tpu.memory_space<semaphore_mem>>
      tpu.wait_indirect_dma semaphore(%dma_wait3A_88 : memref<!tpu.dma_semaphore, #tpu.memory_space<semaphore_mem>>) src(%dma_wait3A_86 : memref<10240x48xf32, #tpu.memory_space<hbm>>) dst(%dma_wait3A_80 : memref<128x48xf32, #tpu.memory_space<vmem>>)
      %add3A_89 = arith.constant 1 : i32
      %add3A_90 = arith.addi %mul3A_12, %add3A_89 : i32
      %run_scoped3A_91 = arith.constant 1 : i32
      "tpu.region"() ({
        %run_scoped3A_179 = tpu.sem_alloc : memref<!tpu.dma_semaphore, #tpu.memory_space<semaphore_mem>>
        %dma_start3A_180 = arith.constant 0 : i32
        %dma_start3A_181 = arith.constant 0 : i32
        %dma_start3A_182 = tpu.memref_slice %arg9[%run_scoped3A_91, %dma_start3A_180, %dma_start3A_181] : memref<2x128x48xf32, #tpu.memory_space<vmem>> -> memref<1x128x48xf32, #tpu.memory_space<vmem>>
        %dma_start3A_183 = tpu.memref_squeeze %dma_start3A_182 : memref<1x128x48xf32, #tpu.memory_space<vmem>> -> memref<128x48xf32, #tpu.memory_space<vmem>>
        %dma_start3A_184 = arith.constant 0 : i32
        %dma_start3A_185 = tpu.memref_slice %arg8[%add3A_90, %dma_start3A_184] : memref<80x128xi32, #tpu.memory_space<vmem>> -> memref<1x128xi32, #tpu.memory_space<vmem>>
        %dma_start3A_186 = tpu.memref_squeeze %dma_start3A_185 : memref<1x128xi32, #tpu.memory_space<vmem>> -> memref<128xi32, #tpu.memory_space<vmem>>
        %dma_start3A_187 = arith.constant 0 : i32
        %dma_start3A_188 = arith.constant 0 : i32
        %dma_start3A_189 = tpu.memref_slice %arg10[%dma_start3A_187, %dma_start3A_188] : memref<10240x48xf32, #tpu.memory_space<vmem_shared>> -> memref<10240x48xf32, #tpu.memory_space<vmem_shared>>
        tpu.enqueue_indirect_dma source(%dma_start3A_183 : memref<128x48xf32, #tpu.memory_space<vmem>>) target(%dma_start3A_189 : memref<10240x48xf32, #tpu.memory_space<vmem_shared>>) offsets(%dma_start3A_186 : memref<128xi32, #tpu.memory_space<vmem>>) semaphore(%run_scoped3A_179 : memref<!tpu.dma_semaphore, #tpu.memory_space<semaphore_mem>>) {add = true}
        %dma_wait3A_190 = arith.constant 0 : i32
        %dma_wait3A_191 = arith.constant 0 : i32
        %dma_wait3A_192 = tpu.memref_slice %arg9[%run_scoped3A_91, %dma_wait3A_190, %dma_wait3A_191] : memref<2x128x48xf32, #tpu.memory_space<vmem>> -> memref<1x128x48xf32, #tpu.memory_space<vmem>>
        %dma_wait3A_193 = tpu.memref_squeeze %dma_wait3A_192 : memref<1x128x48xf32, #tpu.memory_space<vmem>> -> memref<128x48xf32, #tpu.memory_space<vmem>>
        %dma_wait3A_194 = arith.constant 0 : i32
        %dma_wait3A_195 = tpu.memref_slice %arg8[%add3A_90, %dma_wait3A_194] : memref<80x128xi32, #tpu.memory_space<vmem>> -> memref<1x128xi32, #tpu.memory_space<vmem>>
        %dma_wait3A_196 = tpu.memref_squeeze %dma_wait3A_195 : memref<1x128xi32, #tpu.memory_space<vmem>> -> memref<128xi32, #tpu.memory_space<vmem>>
        %dma_wait3A_197 = arith.constant 0 : i32
        %dma_wait3A_198 = arith.constant 0 : i32
        %dma_wait3A_199 = tpu.memref_slice %arg10[%dma_wait3A_197, %dma_wait3A_198] : memref<10240x48xf32, #tpu.memory_space<vmem_shared>> -> memref<10240x48xf32, #tpu.memory_space<vmem_shared>>
        tpu.wait_indirect_dma semaphore(%run_scoped3A_179 : memref<!tpu.dma_semaphore, #tpu.memory_space<semaphore_mem>>) src(%dma_wait3A_193 : memref<128x48xf32, #tpu.memory_space<vmem>>) dst(%dma_wait3A_199 : memref<10240x48xf32, #tpu.memory_space<vmem_shared>>)
        tpu.yield
      }) : () -> ()
      %add3A_92 = arith.constant 1 : i32
      %add3A_93 = arith.addi %mul3A_12, %add3A_92 : i32
      %add3A_94 = arith.constant 2 : i32
      %add3A_95 = arith.addi %add3A_93, %add3A_94 : i32
      %dma_start3A_96 = arith.constant 1 : i32
      %dma_start3A_97 = arith.constant 1 : i32
      %dma_start3A_98 = arith.constant 0 : i32
      %dma_start3A_99 = arith.constant 0 : i32
      %dma_start3A_100 = tpu.memref_slice %arg9[%dma_start3A_96, %dma_start3A_98, %dma_start3A_99] : memref<2x128x48xf32, #tpu.memory_space<vmem>> -> memref<1x128x48xf32, #tpu.memory_space<vmem>>
      %dma_start3A_101 = tpu.memref_squeeze %dma_start3A_100 : memref<1x128x48xf32, #tpu.memory_space<vmem>> -> memref<128x48xf32, #tpu.memory_space<vmem>>
      %dma_start3A_102 = arith.constant 0 : i32
      %dma_start3A_103 = tpu.memref_slice %arg7[%add3A_95, %dma_start3A_102] : memref<80x128xi32, #tpu.memory_space<vmem>> -> memref<1x128xi32, #tpu.memory_space<vmem>>
      %dma_start3A_104 = tpu.memref_squeeze %dma_start3A_103 : memref<1x128xi32, #tpu.memory_space<vmem>> -> memref<128xi32, #tpu.memory_space<vmem>>
      %dma_start3A_105 = arith.constant 0 : i32
      %dma_start3A_106 = arith.constant 0 : i32
      %dma_start3A_107 = tpu.memref_slice %arg2[%dma_start3A_105, %dma_start3A_106] : memref<10240x48xf32, #tpu.memory_space<hbm>> -> memref<10240x48xf32, #tpu.memory_space<hbm>>
      %dma_start3A_108 = tpu.memref_slice %arg11[%dma_start3A_97] : memref<2x!tpu.dma_semaphore, #tpu.memory_space<semaphore_mem>> -> memref<1x!tpu.dma_semaphore, #tpu.memory_space<semaphore_mem>>
      %dma_start3A_109 = tpu.memref_squeeze %dma_start3A_108 : memref<1x!tpu.dma_semaphore, #tpu.memory_space<semaphore_mem>> -> memref<!tpu.dma_semaphore, #tpu.memory_space<semaphore_mem>>
      tpu.enqueue_indirect_dma source(%dma_start3A_107 : memref<10240x48xf32, #tpu.memory_space<hbm>>) target(%dma_start3A_101 : memref<128x48xf32, #tpu.memory_space<vmem>>) offsets(%dma_start3A_104 : memref<128xi32, #tpu.memory_space<vmem>>) semaphore(%dma_start3A_109 : memref<!tpu.dma_semaphore, #tpu.memory_space<semaphore_mem>>)
      %dma_wait3A_110 = arith.constant 0 : i32
      %dma_wait3A_111 = arith.constant 0 : i32
      %dma_wait3A_112 = arith.constant 0 : i32
      %dma_wait3A_113 = arith.constant 0 : i32
      %dma_wait3A_114 = tpu.memref_slice %arg9[%dma_wait3A_110, %dma_wait3A_112, %dma_wait3A_113] : memref<2x128x48xf32, #tpu.memory_space<vmem>> -> memref<1x128x48xf32, #tpu.memory_space<vmem>>
      %dma_wait3A_115 = tpu.memref_squeeze %dma_wait3A_114 : memref<1x128x48xf32, #tpu.memory_space<vmem>> -> memref<128x48xf32, #tpu.memory_space<vmem>>
      %dma_wait3A_116 = arith.constant 0 : i32
      %dma_wait3A_117 = tpu.memref_slice %arg7[%add3A_60, %dma_wait3A_116] : memref<80x128xi32, #tpu.memory_space<vmem>> -> memref<1x128xi32, #tpu.memory_space<vmem>>
      %dma_wait3A_118 = tpu.memref_squeeze %dma_wait3A_117 : memref<1x128xi32, #tpu.memory_space<vmem>> -> memref<128xi32, #tpu.memory_space<vmem>>
      %dma_wait3A_119 = arith.constant 0 : i32
      %dma_wait3A_120 = arith.constant 0 : i32
      %dma_wait3A_121 = tpu.memref_slice %arg2[%dma_wait3A_119, %dma_wait3A_120] : memref<10240x48xf32, #tpu.memory_space<hbm>> -> memref<10240x48xf32, #tpu.memory_space<hbm>>
      %dma_wait3A_122 = tpu.memref_slice %arg11[%dma_wait3A_111] : memref<2x!tpu.dma_semaphore, #tpu.memory_space<semaphore_mem>> -> memref<1x!tpu.dma_semaphore, #tpu.memory_space<semaphore_mem>>
      %dma_wait3A_123 = tpu.memref_squeeze %dma_wait3A_122 : memref<1x!tpu.dma_semaphore, #tpu.memory_space<semaphore_mem>> -> memref<!tpu.dma_semaphore, #tpu.memory_space<semaphore_mem>>
      tpu.wait_indirect_dma semaphore(%dma_wait3A_123 : memref<!tpu.dma_semaphore, #tpu.memory_space<semaphore_mem>>) src(%dma_wait3A_121 : memref<10240x48xf32, #tpu.memory_space<hbm>>) dst(%dma_wait3A_115 : memref<128x48xf32, #tpu.memory_space<vmem>>)
      %add3A_124 = arith.constant 2 : i32
      %add3A_125 = arith.addi %mul3A_12, %add3A_124 : i32
      %run_scoped3A_126 = arith.constant 0 : i32
      "tpu.region"() ({
        %run_scoped3A_179 = tpu.sem_alloc : memref<!tpu.dma_semaphore, #tpu.memory_space<semaphore_mem>>
        %dma_start3A_180 = arith.constant 0 : i32
        %dma_start3A_181 = arith.constant 0 : i32
        %dma_start3A_182 = tpu.memref_slice %arg9[%run_scoped3A_126, %dma_start3A_180, %dma_start3A_181] : memref<2x128x48xf32, #tpu.memory_space<vmem>> -> memref<1x128x48xf32, #tpu.memory_space<vmem>>
        %dma_start3A_183 = tpu.memref_squeeze %dma_start3A_182 : memref<1x128x48xf32, #tpu.memory_space<vmem>> -> memref<128x48xf32, #tpu.memory_space<vmem>>
        %dma_start3A_184 = arith.constant 0 : i32
        %dma_start3A_185 = tpu.memref_slice %arg8[%add3A_125, %dma_start3A_184] : memref<80x128xi32, #tpu.memory_space<vmem>> -> memref<1x128xi32, #tpu.memory_space<vmem>>
        %dma_start3A_186 = tpu.memref_squeeze %dma_start3A_185 : memref<1x128xi32, #tpu.memory_space<vmem>> -> memref<128xi32, #tpu.memory_space<vmem>>
        %dma_start3A_187 = arith.constant 0 : i32
        %dma_start3A_188 = arith.constant 0 : i32
        %dma_start3A_189 = tpu.memref_slice %arg10[%dma_start3A_187, %dma_start3A_188] : memref<10240x48xf32, #tpu.memory_space<vmem_shared>> -> memref<10240x48xf32, #tpu.memory_space<vmem_shared>>
        tpu.enqueue_indirect_dma source(%dma_start3A_183 : memref<128x48xf32, #tpu.memory_space<vmem>>) target(%dma_start3A_189 : memref<10240x48xf32, #tpu.memory_space<vmem_shared>>) offsets(%dma_start3A_186 : memref<128xi32, #tpu.memory_space<vmem>>) semaphore(%run_scoped3A_179 : memref<!tpu.dma_semaphore, #tpu.memory_space<semaphore_mem>>) {add = true}
        %dma_wait3A_190 = arith.constant 0 : i32
        %dma_wait3A_191 = arith.constant 0 : i32
        %dma_wait3A_192 = tpu.memref_slice %arg9[%run_scoped3A_126, %dma_wait3A_190, %dma_wait3A_191] : memref<2x128x48xf32, #tpu.memory_space<vmem>> -> memref<1x128x48xf32, #tpu.memory_space<vmem>>
        %dma_wait3A_193 = tpu.memref_squeeze %dma_wait3A_192 : memref<1x128x48xf32, #tpu.memory_space<vmem>> -> memref<128x48xf32, #tpu.memory_space<vmem>>
        %dma_wait3A_194 = arith.constant 0 : i32
        %dma_wait3A_195 = tpu.memref_slice %arg8[%add3A_125, %dma_wait3A_194] : memref<80x128xi32, #tpu.memory_space<vmem>> -> memref<1x128xi32, #tpu.memory_space<vmem>>
        %dma_wait3A_196 = tpu.memref_squeeze %dma_wait3A_195 : memref<1x128xi32, #tpu.memory_space<vmem>> -> memref<128xi32, #tpu.memory_space<vmem>>
        %dma_wait3A_197 = arith.constant 0 : i32
        %dma_wait3A_198 = arith.constant 0 : i32
        %dma_wait3A_199 = tpu.memref_slice %arg10[%dma_wait3A_197, %dma_wait3A_198] : memref<10240x48xf32, #tpu.memory_space<vmem_shared>> -> memref<10240x48xf32, #tpu.memory_space<vmem_shared>>
        tpu.wait_indirect_dma semaphore(%run_scoped3A_179 : memref<!tpu.dma_semaphore, #tpu.memory_space<semaphore_mem>>) src(%dma_wait3A_193 : memref<128x48xf32, #tpu.memory_space<vmem>>) dst(%dma_wait3A_199 : memref<10240x48xf32, #tpu.memory_space<vmem_shared>>)
        tpu.yield
      }) : () -> ()
      %add3A_127 = arith.constant 2 : i32
      %add3A_128 = arith.addi %mul3A_12, %add3A_127 : i32
      %add3A_129 = arith.constant 2 : i32
      %add3A_130 = arith.addi %add3A_128, %add3A_129 : i32
      %dma_start3A_131 = arith.constant 0 : i32
      %dma_start3A_132 = arith.constant 0 : i32
      %dma_start3A_133 = arith.constant 0 : i32
      %dma_start3A_134 = arith.constant 0 : i32
      %dma_start3A_135 = tpu.memref_slice %arg9[%dma_start3A_131, %dma_start3A_133, %dma_start3A_134] : memref<2x128x48xf32, #tpu.memory_space<vmem>> -> memref<1x128x48xf32, #tpu.memory_space<vmem>>
      %dma_start3A_136 = tpu.memref_squeeze %dma_start3A_135 : memref<1x128x48xf32, #tpu.memory_space<vmem>> -> memref<128x48xf32, #tpu.memory_space<vmem>>
      %dma_start3A_137 = arith.constant 0 : i32
      %dma_start3A_138 = tpu.memref_slice %arg7[%add3A_130, %dma_start3A_137] : memref<80x128xi32, #tpu.memory_space<vmem>> -> memref<1x128xi32, #tpu.memory_space<vmem>>
      %dma_start3A_139 = tpu.memref_squeeze %dma_start3A_138 : memref<1x128xi32, #tpu.memory_space<vmem>> -> memref<128xi32, #tpu.memory_space<vmem>>
      %dma_start3A_140 = arith.constant 0 : i32
      %dma_start3A_141 = arith.constant 0 : i32
      %dma_start3A_142 = tpu.memref_slice %arg2[%dma_start3A_140, %dma_start3A_141] : memref<10240x48xf32, #tpu.memory_space<hbm>> -> memref<10240x48xf32, #tpu.memory_space<hbm>>
      %dma_start3A_143 = tpu.memref_slice %arg11[%dma_start3A_132] : memref<2x!tpu.dma_semaphore, #tpu.memory_space<semaphore_mem>> -> memref<1x!tpu.dma_semaphore, #tpu.memory_space<semaphore_mem>>
      %dma_start3A_144 = tpu.memref_squeeze %dma_start3A_143 : memref<1x!tpu.dma_semaphore, #tpu.memory_space<semaphore_mem>> -> memref<!tpu.dma_semaphore, #tpu.memory_space<semaphore_mem>>
      tpu.enqueue_indirect_dma source(%dma_start3A_142 : memref<10240x48xf32, #tpu.memory_space<hbm>>) target(%dma_start3A_136 : memref<128x48xf32, #tpu.memory_space<vmem>>) offsets(%dma_start3A_139 : memref<128xi32, #tpu.memory_space<vmem>>) semaphore(%dma_start3A_144 : memref<!tpu.dma_semaphore, #tpu.memory_space<semaphore_mem>>)
      %dma_wait3A_145 = arith.constant 1 : i32
      %dma_wait3A_146 = arith.constant 1 : i32
      %dma_wait3A_147 = arith.constant 0 : i32
      %dma_wait3A_148 = arith.constant 0 : i32
      %dma_wait3A_149 = tpu.memref_slice %arg9[%dma_wait3A_145, %dma_wait3A_147, %dma_wait3A_148] : memref<2x128x48xf32, #tpu.memory_space<vmem>> -> memref<1x128x48xf32, #tpu.memory_space<vmem>>
      %dma_wait3A_150 = tpu.memref_squeeze %dma_wait3A_149 : memref<1x128x48xf32, #tpu.memory_space<vmem>> -> memref<128x48xf32, #tpu.memory_space<vmem>>
      %dma_wait3A_151 = arith.constant 0 : i32
      %dma_wait3A_152 = tpu.memref_slice %arg7[%add3A_95, %dma_wait3A_151] : memref<80x128xi32, #tpu.memory_space<vmem>> -> memref<1x128xi32, #tpu.memory_space<vmem>>
      %dma_wait3A_153 = tpu.memref_squeeze %dma_wait3A_152 : memref<1x128xi32, #tpu.memory_space<vmem>> -> memref<128xi32, #tpu.memory_space<vmem>>
      %dma_wait3A_154 = arith.constant 0 : i32
      %dma_wait3A_155 = arith.constant 0 : i32
      %dma_wait3A_156 = tpu.memref_slice %arg2[%dma_wait3A_154, %dma_wait3A_155] : memref<10240x48xf32, #tpu.memory_space<hbm>> -> memref<10240x48xf32, #tpu.memory_space<hbm>>
      %dma_wait3A_157 = tpu.memref_slice %arg11[%dma_wait3A_146] : memref<2x!tpu.dma_semaphore, #tpu.memory_space<semaphore_mem>> -> memref<1x!tpu.dma_semaphore, #tpu.memory_space<semaphore_mem>>
      %dma_wait3A_158 = tpu.memref_squeeze %dma_wait3A_157 : memref<1x!tpu.dma_semaphore, #tpu.memory_space<semaphore_mem>> -> memref<!tpu.dma_semaphore, #tpu.memory_space<semaphore_mem>>
      tpu.wait_indirect_dma semaphore(%dma_wait3A_158 : memref<!tpu.dma_semaphore, #tpu.memory_space<semaphore_mem>>) src(%dma_wait3A_156 : memref<10240x48xf32, #tpu.memory_space<hbm>>) dst(%dma_wait3A_150 : memref<128x48xf32, #tpu.memory_space<vmem>>)
      %add3A_159 = arith.constant 3 : i32
      %add3A_160 = arith.addi %mul3A_12, %add3A_159 : i32
      %run_scoped3A_161 = arith.constant 1 : i32
      "tpu.region"() ({
        %run_scoped3A_179 = tpu.sem_alloc : memref<!tpu.dma_semaphore, #tpu.memory_space<semaphore_mem>>
        %dma_start3A_180 = arith.constant 0 : i32
        %dma_start3A_181 = arith.constant 0 : i32
        %dma_start3A_182 = tpu.memref_slice %arg9[%run_scoped3A_161, %dma_start3A_180, %dma_start3A_181] : memref<2x128x48xf32, #tpu.memory_space<vmem>> -> memref<1x128x48xf32, #tpu.memory_space<vmem>>
        %dma_start3A_183 = tpu.memref_squeeze %dma_start3A_182 : memref<1x128x48xf32, #tpu.memory_space<vmem>> -> memref<128x48xf32, #tpu.memory_space<vmem>>
        %dma_start3A_184 = arith.constant 0 : i32
        %dma_start3A_185 = tpu.memref_slice %arg8[%add3A_160, %dma_start3A_184] : memref<80x128xi32, #tpu.memory_space<vmem>> -> memref<1x128xi32, #tpu.memory_space<vmem>>
        %dma_start3A_186 = tpu.memref_squeeze %dma_start3A_185 : memref<1x128xi32, #tpu.memory_space<vmem>> -> memref<128xi32, #tpu.memory_space<vmem>>
        %dma_start3A_187 = arith.constant 0 : i32
        %dma_start3A_188 = arith.constant 0 : i32
        %dma_start3A_189 = tpu.memref_slice %arg10[%dma_start3A_187, %dma_start3A_188] : memref<10240x48xf32, #tpu.memory_space<vmem_shared>> -> memref<10240x48xf32, #tpu.memory_space<vmem_shared>>
        tpu.enqueue_indirect_dma source(%dma_start3A_183 : memref<128x48xf32, #tpu.memory_space<vmem>>) target(%dma_start3A_189 : memref<10240x48xf32, #tpu.memory_space<vmem_shared>>) offsets(%dma_start3A_186 : memref<128xi32, #tpu.memory_space<vmem>>) semaphore(%run_scoped3A_179 : memref<!tpu.dma_semaphore, #tpu.memory_space<semaphore_mem>>) {add = true}
        %dma_wait3A_190 = arith.constant 0 : i32
        %dma_wait3A_191 = arith.constant 0 : i32
        %dma_wait3A_192 = tpu.memref_slice %arg9[%run_scoped3A_161, %dma_wait3A_190, %dma_wait3A_191] : memref<2x128x48xf32, #tpu.memory_space<vmem>> -> memref<1x128x48xf32, #tpu.memory_space<vmem>>
        %dma_wait3A_193 = tpu.memref_squeeze %dma_wait3A_192 : memref<1x128x48xf32, #tpu.memory_space<vmem>> -> memref<128x48xf32, #tpu.memory_space<vmem>>
        %dma_wait3A_194 = arith.constant 0 : i32
        %dma_wait3A_195 = tpu.memref_slice %arg8[%add3A_160, %dma_wait3A_194] : memref<80x128xi32, #tpu.memory_space<vmem>> -> memref<1x128xi32, #tpu.memory_space<vmem>>
        %dma_wait3A_196 = tpu.memref_squeeze %dma_wait3A_195 : memref<1x128xi32, #tpu.memory_space<vmem>> -> memref<128xi32, #tpu.memory_space<vmem>>
        %dma_wait3A_197 = arith.constant 0 : i32
        %dma_wait3A_198 = arith.constant 0 : i32
        %dma_wait3A_199 = tpu.memref_slice %arg10[%dma_wait3A_197, %dma_wait3A_198] : memref<10240x48xf32, #tpu.memory_space<vmem_shared>> -> memref<10240x48xf32, #tpu.memory_space<vmem_shared>>
        tpu.wait_indirect_dma semaphore(%run_scoped3A_179 : memref<!tpu.dma_semaphore, #tpu.memory_space<semaphore_mem>>) src(%dma_wait3A_193 : memref<128x48xf32, #tpu.memory_space<vmem>>) dst(%dma_wait3A_199 : memref<10240x48xf32, #tpu.memory_space<vmem_shared>>)
        tpu.yield
      }) : () -> ()
      %dma_wait3A_162 = arith.constant 0 : i32
      %dma_wait3A_163 = arith.constant 0 : i32
      %dma_wait3A_164 = arith.constant 0 : i32
      %dma_wait3A_165 = arith.constant 0 : i32
      %dma_wait3A_166 = tpu.memref_slice %arg9[%dma_wait3A_162, %dma_wait3A_164, %dma_wait3A_165] : memref<2x128x48xf32, #tpu.memory_space<vmem>> -> memref<1x128x48xf32, #tpu.memory_space<vmem>>
      %dma_wait3A_167 = tpu.memref_squeeze %dma_wait3A_166 : memref<1x128x48xf32, #tpu.memory_space<vmem>> -> memref<128x48xf32, #tpu.memory_space<vmem>>
      %dma_wait3A_168 = arith.constant 0 : i32
      %dma_wait3A_169 = tpu.memref_slice %arg7[%add3A_130, %dma_wait3A_168] : memref<80x128xi32, #tpu.memory_space<vmem>> -> memref<1x128xi32, #tpu.memory_space<vmem>>
      %dma_wait3A_170 = tpu.memref_squeeze %dma_wait3A_169 : memref<1x128xi32, #tpu.memory_space<vmem>> -> memref<128xi32, #tpu.memory_space<vmem>>
      %dma_wait3A_171 = arith.constant 0 : i32
      %dma_wait3A_172 = arith.constant 0 : i32
      %dma_wait3A_173 = tpu.memref_slice %arg2[%dma_wait3A_171, %dma_wait3A_172] : memref<10240x48xf32, #tpu.memory_space<hbm>> -> memref<10240x48xf32, #tpu.memory_space<hbm>>
      %dma_wait3A_174 = tpu.memref_slice %arg11[%dma_wait3A_163] : memref<2x!tpu.dma_semaphore, #tpu.memory_space<semaphore_mem>> -> memref<1x!tpu.dma_semaphore, #tpu.memory_space<semaphore_mem>>
      %dma_wait3A_175 = tpu.memref_squeeze %dma_wait3A_174 : memref<1x!tpu.dma_semaphore, #tpu.memory_space<semaphore_mem>> -> memref<!tpu.dma_semaphore, #tpu.memory_space<semaphore_mem>>
      tpu.wait_indirect_dma semaphore(%dma_wait3A_175 : memref<!tpu.dma_semaphore, #tpu.memory_space<semaphore_mem>>) src(%dma_wait3A_173 : memref<10240x48xf32, #tpu.memory_space<hbm>>) dst(%dma_wait3A_167 : memref<128x48xf32, #tpu.memory_space<vmem>>)
      %add3A_176 = arith.constant 4 : i32
      %add3A_177 = arith.addi %mul3A_12, %add3A_176 : i32
      %run_scoped3A_178 = arith.constant 0 : i32
      "tpu.region"() ({
        %run_scoped3A_179 = tpu.sem_alloc : memref<!tpu.dma_semaphore, #tpu.memory_space<semaphore_mem>>
        %dma_start3A_180 = arith.constant 0 : i32
        %dma_start3A_181 = arith.constant 0 : i32
        %dma_start3A_182 = tpu.memref_slice %arg9[%run_scoped3A_178, %dma_start3A_180, %dma_start3A_181] : memref<2x128x48xf32, #tpu.memory_space<vmem>> -> memref<1x128x48xf32, #tpu.memory_space<vmem>>
        %dma_start3A_183 = tpu.memref_squeeze %dma_start3A_182 : memref<1x128x48xf32, #tpu.memory_space<vmem>> -> memref<128x48xf32, #tpu.memory_space<vmem>>
        %dma_start3A_184 = arith.constant 0 : i32
        %dma_start3A_185 = tpu.memref_slice %arg8[%add3A_177, %dma_start3A_184] : memref<80x128xi32, #tpu.memory_space<vmem>> -> memref<1x128xi32, #tpu.memory_space<vmem>>
        %dma_start3A_186 = tpu.memref_squeeze %dma_start3A_185 : memref<1x128xi32, #tpu.memory_space<vmem>> -> memref<128xi32, #tpu.memory_space<vmem>>
        %dma_start3A_187 = arith.constant 0 : i32
        %dma_start3A_188 = arith.constant 0 : i32
        %dma_start3A_189 = tpu.memref_slice %arg10[%dma_start3A_187, %dma_start3A_188] : memref<10240x48xf32, #tpu.memory_space<vmem_shared>> -> memref<10240x48xf32, #tpu.memory_space<vmem_shared>>
        tpu.enqueue_indirect_dma source(%dma_start3A_183 : memref<128x48xf32, #tpu.memory_space<vmem>>) target(%dma_start3A_189 : memref<10240x48xf32, #tpu.memory_space<vmem_shared>>) offsets(%dma_start3A_186 : memref<128xi32, #tpu.memory_space<vmem>>) semaphore(%run_scoped3A_179 : memref<!tpu.dma_semaphore, #tpu.memory_space<semaphore_mem>>) {add = true}
        %dma_wait3A_190 = arith.constant 0 : i32
        %dma_wait3A_191 = arith.constant 0 : i32
        %dma_wait3A_192 = tpu.memref_slice %arg9[%run_scoped3A_178, %dma_wait3A_190, %dma_wait3A_191] : memref<2x128x48xf32, #tpu.memory_space<vmem>> -> memref<1x128x48xf32, #tpu.memory_space<vmem>>
        %dma_wait3A_193 = tpu.memref_squeeze %dma_wait3A_192 : memref<1x128x48xf32, #tpu.memory_space<vmem>> -> memref<128x48xf32, #tpu.memory_space<vmem>>
        %dma_wait3A_194 = arith.constant 0 : i32
        %dma_wait3A_195 = tpu.memref_slice %arg8[%add3A_177, %dma_wait3A_194] : memref<80x128xi32, #tpu.memory_space<vmem>> -> memref<1x128xi32, #tpu.memory_space<vmem>>
        %dma_wait3A_196 = tpu.memref_squeeze %dma_wait3A_195 : memref<1x128xi32, #tpu.memory_space<vmem>> -> memref<128xi32, #tpu.memory_space<vmem>>
        %dma_wait3A_197 = arith.constant 0 : i32
        %dma_wait3A_198 = arith.constant 0 : i32
        %dma_wait3A_199 = tpu.memref_slice %arg10[%dma_wait3A_197, %dma_wait3A_198] : memref<10240x48xf32, #tpu.memory_space<vmem_shared>> -> memref<10240x48xf32, #tpu.memory_space<vmem_shared>>
        tpu.wait_indirect_dma semaphore(%run_scoped3A_179 : memref<!tpu.dma_semaphore, #tpu.memory_space<semaphore_mem>>) src(%dma_wait3A_193 : memref<128x48xf32, #tpu.memory_space<vmem>>) dst(%dma_wait3A_199 : memref<10240x48xf32, #tpu.memory_space<vmem_shared>>)
        tpu.yield
      }) : () -> ()
    }
    %scan3A_7 = arith.constant 16 : i32
    %barrier3A_8 = arith.constant 0 : index
    tpu.barrier barrier_id(%barrier3A_8)
    %delay3A = arith.constant 8192 : i32
    tpu.delay %delay3A
    %barrier3A_9 = arith.constant 0 : index
    tpu.barrier barrier_id(%barrier3A_9)
    "tpu.region"() ({
      %run_scoped3A = tpu.sem_alloc : memref<!tpu.dma_semaphore, #tpu.memory_space<semaphore_mem>>
      %dma_start3A = arith.constant 0 : i32
      %dma_start3A_10 = tpu.memref_slice %arg6[%arg0, %mul3A_2, %dma_start3A] : memref<2x10240x48xf32, #tpu.memory_space<hbm>> -> memref<1x640x48xf32, #tpu.memory_space<hbm>>
      %dma_start3A_11 = tpu.memref_squeeze %dma_start3A_10 : memref<1x640x48xf32, #tpu.memory_space<hbm>> -> memref<640x48xf32, #tpu.memory_space<hbm>>
      %dma_start3A_12 = arith.constant 0 : i32
      %dma_start3A_13 = tpu.memref_slice %arg10[%mul3A_2, %dma_start3A_12] : memref<10240x48xf32, #tpu.memory_space<vmem_shared>> -> memref<640x48xf32, #tpu.memory_space<vmem_shared>>
      tpu.enqueue_dma source(%dma_start3A_13 : memref<640x48xf32, #tpu.memory_space<vmem_shared>>) target(%dma_start3A_11 : memref<640x48xf32, #tpu.memory_space<hbm>>) target_semaphore(%run_scoped3A : memref<!tpu.dma_semaphore, #tpu.memory_space<semaphore_mem>>)
      %dma_wait3A = arith.constant 0 : i32
      %dma_wait3A_14 = tpu.memref_slice %arg6[%arg0, %mul3A_2, %dma_wait3A] : memref<2x10240x48xf32, #tpu.memory_space<hbm>> -> memref<1x640x48xf32, #tpu.memory_space<hbm>>
      %dma_wait3A_15 = tpu.memref_squeeze %dma_wait3A_14 : memref<1x640x48xf32, #tpu.memory_space<hbm>> -> memref<640x48xf32, #tpu.memory_space<hbm>>
      %dma_wait3A_16 = arith.constant 0 : i32
      %dma_wait3A_17 = tpu.memref_slice %arg10[%mul3A_2, %dma_wait3A_16] : memref<10240x48xf32, #tpu.memory_space<vmem_shared>> -> memref<640x48xf32, #tpu.memory_space<vmem_shared>>
      tpu.wait_dma2 semaphore(%run_scoped3A : memref<!tpu.dma_semaphore, #tpu.memory_space<semaphore_mem>>) src(%dma_wait3A_17 : memref<640x48xf32, #tpu.memory_space<vmem_shared>>) dst(%dma_wait3A_15 : memref<640x48xf32, #tpu.memory_space<hbm>>)
      tpu.yield
    }) : () -> ()
    return
  }
}

#map = affine_map<(d0, d1) -> (0, 0, 0)>
#map1 = affine_map<(d0, d1) -> (0, 0)>
module attributes {stable_mosaic.version = 14 : i64} {
  func.func @deg_kernel(%arg0: i32, %arg1: i32, %arg2: memref<32x80x128xi32, #tpu.memory_space<hbm>>, %arg3: memref<128x8xf32, #tpu.memory_space<hbm>>, %arg4: memref<10240x8xf32, #tpu.memory_space<hbm>>, %arg5: memref<2x10240x8xf32, #tpu.memory_space<hbm>>, %arg6: memref<80x128xi32, #tpu.memory_space<vmem>>, %arg7: memref<128x8xf32, #tpu.memory_space<vmem>>, %arg8: memref<10240x8xf32, #tpu.memory_space<vmem_shared>>) attributes {dimension_semantics = [#tpu.dimension_semantics<core_parallel>, #tpu.dimension_semantics<subcore_parallel>], iteration_bounds = array<i64: 2, 16>, scalar_prefetch = 0 : i64, scratch_operands = 3 : i64, tpu.core_type = #tpu.core_type<sc_vector_subcore>, window_params = [{transform_indices = #map}, {transform_indices = #map1}, {transform_indices = #map1}, {transform_indices = #map}]} {
    %mul3A = arith.constant 16 : i32
    %mul3A_0 = arith.muli %arg0, %mul3A : i32
    %add3A = arith.addi %mul3A_0, %arg1 : i32
    %mul3A_1 = arith.constant 640 : i32
    %mul3A_2 = arith.muli %arg1, %mul3A_1 : i32
    "tpu.region"() ({
      %run_scoped3A = tpu.sem_alloc : memref<!tpu.dma_semaphore, #tpu.memory_space<semaphore_mem>>
      %dma_start3A = arith.constant 0 : i32
      %dma_start3A_10 = tpu.memref_slice %arg8[%mul3A_2, %dma_start3A] : memref<10240x8xf32, #tpu.memory_space<vmem_shared>> -> memref<640x8xf32, #tpu.memory_space<vmem_shared>>
      %dma_start3A_11 = arith.constant 0 : i32
      %dma_start3A_12 = tpu.memref_slice %arg4[%mul3A_2, %dma_start3A_11] : memref<10240x8xf32, #tpu.memory_space<hbm>> -> memref<640x8xf32, #tpu.memory_space<hbm>>
      tpu.enqueue_dma source(%dma_start3A_12 : memref<640x8xf32, #tpu.memory_space<hbm>>) target(%dma_start3A_10 : memref<640x8xf32, #tpu.memory_space<vmem_shared>>) target_semaphore(%run_scoped3A : memref<!tpu.dma_semaphore, #tpu.memory_space<semaphore_mem>>)
      %dma_wait3A = arith.constant 0 : i32
      %dma_wait3A_13 = tpu.memref_slice %arg8[%mul3A_2, %dma_wait3A] : memref<10240x8xf32, #tpu.memory_space<vmem_shared>> -> memref<640x8xf32, #tpu.memory_space<vmem_shared>>
      %dma_wait3A_14 = arith.constant 0 : i32
      %dma_wait3A_15 = tpu.memref_slice %arg4[%mul3A_2, %dma_wait3A_14] : memref<10240x8xf32, #tpu.memory_space<hbm>> -> memref<640x8xf32, #tpu.memory_space<hbm>>
      tpu.wait_dma2 semaphore(%run_scoped3A : memref<!tpu.dma_semaphore, #tpu.memory_space<semaphore_mem>>) src(%dma_wait3A_15 : memref<640x8xf32, #tpu.memory_space<hbm>>) dst(%dma_wait3A_13 : memref<640x8xf32, #tpu.memory_space<vmem_shared>>)
      tpu.yield
    }) : () -> ()
    "tpu.region"() ({
      %run_scoped3A = tpu.sem_alloc : memref<!tpu.dma_semaphore, #tpu.memory_space<semaphore_mem>>
      tpu.enqueue_dma source(%arg3 : memref<128x8xf32, #tpu.memory_space<hbm>>) target(%arg7 : memref<128x8xf32, #tpu.memory_space<vmem>>) target_semaphore(%run_scoped3A : memref<!tpu.dma_semaphore, #tpu.memory_space<semaphore_mem>>)
      tpu.wait_dma2 semaphore(%run_scoped3A : memref<!tpu.dma_semaphore, #tpu.memory_space<semaphore_mem>>) src(%arg3 : memref<128x8xf32, #tpu.memory_space<hbm>>) dst(%arg7 : memref<128x8xf32, #tpu.memory_space<vmem>>)
      tpu.yield
    }) : () -> ()
    "tpu.region"() ({
      %run_scoped3A = tpu.sem_alloc : memref<!tpu.dma_semaphore, #tpu.memory_space<semaphore_mem>>
      %dma_start3A = arith.constant 0 : i32
      %dma_start3A_10 = arith.constant 0 : i32
      %dma_start3A_11 = tpu.memref_slice %arg2[%add3A, %dma_start3A, %dma_start3A_10] : memref<32x80x128xi32, #tpu.memory_space<hbm>> -> memref<1x80x128xi32, #tpu.memory_space<hbm>>
      %dma_start3A_12 = tpu.memref_squeeze %dma_start3A_11 : memref<1x80x128xi32, #tpu.memory_space<hbm>> -> memref<80x128xi32, #tpu.memory_space<hbm>>
      %dma_start3A_13 = arith.constant 0 : i32
      %dma_start3A_14 = arith.constant 0 : i32
      %dma_start3A_15 = tpu.memref_slice %arg2[%add3A, %dma_start3A_13, %dma_start3A_14] : memref<32x80x128xi32, #tpu.memory_space<hbm>> -> memref<1x80x128xi32, #tpu.memory_space<hbm>>
      %dma_start3A_16 = tpu.memref_squeeze %dma_start3A_15 : memref<1x80x128xi32, #tpu.memory_space<hbm>> -> memref<80x128xi32, #tpu.memory_space<hbm>>
      tpu.enqueue_dma source(%dma_start3A_16 : memref<80x128xi32, #tpu.memory_space<hbm>>) target(%arg6 : memref<80x128xi32, #tpu.memory_space<vmem>>) target_semaphore(%run_scoped3A : memref<!tpu.dma_semaphore, #tpu.memory_space<semaphore_mem>>)
      %dma_wait3A = arith.constant 0 : i32
      %dma_wait3A_17 = arith.constant 0 : i32
      %dma_wait3A_18 = tpu.memref_slice %arg2[%add3A, %dma_wait3A, %dma_wait3A_17] : memref<32x80x128xi32, #tpu.memory_space<hbm>> -> memref<1x80x128xi32, #tpu.memory_space<hbm>>
      %dma_wait3A_19 = tpu.memref_squeeze %dma_wait3A_18 : memref<1x80x128xi32, #tpu.memory_space<hbm>> -> memref<80x128xi32, #tpu.memory_space<hbm>>
      %dma_wait3A_20 = arith.constant 0 : i32
      %dma_wait3A_21 = arith.constant 0 : i32
      %dma_wait3A_22 = tpu.memref_slice %arg2[%add3A, %dma_wait3A_20, %dma_wait3A_21] : memref<32x80x128xi32, #tpu.memory_space<hbm>> -> memref<1x80x128xi32, #tpu.memory_space<hbm>>
      %dma_wait3A_23 = tpu.memref_squeeze %dma_wait3A_22 : memref<1x80x128xi32, #tpu.memory_space<hbm>> -> memref<80x128xi32, #tpu.memory_space<hbm>>
      tpu.wait_dma2 semaphore(%run_scoped3A : memref<!tpu.dma_semaphore, #tpu.memory_space<semaphore_mem>>) src(%dma_wait3A_23 : memref<80x128xi32, #tpu.memory_space<hbm>>) dst(%arg6 : memref<80x128xi32, #tpu.memory_space<vmem>>)
      tpu.yield
    }) : () -> ()
    %barrier3A = arith.constant 0 : index
    tpu.barrier barrier_id(%barrier3A)
    %scan3A = arith.constant 0 : i32
    %scan3A_3 = arith.constant 0 : i32
    %scan3A_4 = arith.constant 80 : i32
    %scan3A_5 = arith.addi %scan3A_3, %scan3A_4 : i32
    %scan3A_6 = arith.constant 1 : i32
    scf.for %scan3A_10 = %scan3A_3 to %scan3A_5 step %scan3A_6  : i32 {
      "tpu.region"() ({
        %run_scoped3A = tpu.sem_alloc : memref<!tpu.dma_semaphore, #tpu.memory_space<semaphore_mem>>
        %dma_start3A = arith.constant 0 : i32
        %dma_start3A_11 = tpu.memref_slice %arg6[%scan3A_10, %dma_start3A] : memref<80x128xi32, #tpu.memory_space<vmem>> -> memref<1x128xi32, #tpu.memory_space<vmem>>
        %dma_start3A_12 = tpu.memref_squeeze %dma_start3A_11 : memref<1x128xi32, #tpu.memory_space<vmem>> -> memref<128xi32, #tpu.memory_space<vmem>>
        %dma_start3A_13 = arith.constant 0 : i32
        %dma_start3A_14 = arith.constant 0 : i32
        %dma_start3A_15 = tpu.memref_slice %arg8[%dma_start3A_13, %dma_start3A_14] : memref<10240x8xf32, #tpu.memory_space<vmem_shared>> -> memref<10240x8xf32, #tpu.memory_space<vmem_shared>>
        tpu.enqueue_indirect_dma source(%arg7 : memref<128x8xf32, #tpu.memory_space<vmem>>) target(%dma_start3A_15 : memref<10240x8xf32, #tpu.memory_space<vmem_shared>>) offsets(%dma_start3A_12 : memref<128xi32, #tpu.memory_space<vmem>>) semaphore(%run_scoped3A : memref<!tpu.dma_semaphore, #tpu.memory_space<semaphore_mem>>) {add = true}
        %dma_wait3A = arith.constant 0 : i32
        %dma_wait3A_16 = tpu.memref_slice %arg6[%scan3A_10, %dma_wait3A] : memref<80x128xi32, #tpu.memory_space<vmem>> -> memref<1x128xi32, #tpu.memory_space<vmem>>
        %dma_wait3A_17 = tpu.memref_squeeze %dma_wait3A_16 : memref<1x128xi32, #tpu.memory_space<vmem>> -> memref<128xi32, #tpu.memory_space<vmem>>
        %dma_wait3A_18 = arith.constant 0 : i32
        %dma_wait3A_19 = arith.constant 0 : i32
        %dma_wait3A_20 = tpu.memref_slice %arg8[%dma_wait3A_18, %dma_wait3A_19] : memref<10240x8xf32, #tpu.memory_space<vmem_shared>> -> memref<10240x8xf32, #tpu.memory_space<vmem_shared>>
        tpu.wait_indirect_dma semaphore(%run_scoped3A : memref<!tpu.dma_semaphore, #tpu.memory_space<semaphore_mem>>) src(%arg7 : memref<128x8xf32, #tpu.memory_space<vmem>>) dst(%dma_wait3A_20 : memref<10240x8xf32, #tpu.memory_space<vmem_shared>>)
        tpu.yield
      }) : () -> ()
    }
    %scan3A_7 = arith.constant 80 : i32
    %barrier3A_8 = arith.constant 0 : index
    tpu.barrier barrier_id(%barrier3A_8)
    %delay3A = arith.constant 8192 : i32
    tpu.delay %delay3A
    %barrier3A_9 = arith.constant 0 : index
    tpu.barrier barrier_id(%barrier3A_9)
    "tpu.region"() ({
      %run_scoped3A = tpu.sem_alloc : memref<!tpu.dma_semaphore, #tpu.memory_space<semaphore_mem>>
      %dma_start3A = arith.constant 0 : i32
      %dma_start3A_10 = tpu.memref_slice %arg5[%arg0, %mul3A_2, %dma_start3A] : memref<2x10240x8xf32, #tpu.memory_space<hbm>> -> memref<1x640x8xf32, #tpu.memory_space<hbm>>
      %dma_start3A_11 = tpu.memref_squeeze %dma_start3A_10 : memref<1x640x8xf32, #tpu.memory_space<hbm>> -> memref<640x8xf32, #tpu.memory_space<hbm>>
      %dma_start3A_12 = arith.constant 0 : i32
      %dma_start3A_13 = tpu.memref_slice %arg8[%mul3A_2, %dma_start3A_12] : memref<10240x8xf32, #tpu.memory_space<vmem_shared>> -> memref<640x8xf32, #tpu.memory_space<vmem_shared>>
      tpu.enqueue_dma source(%dma_start3A_13 : memref<640x8xf32, #tpu.memory_space<vmem_shared>>) target(%dma_start3A_11 : memref<640x8xf32, #tpu.memory_space<hbm>>) target_semaphore(%run_scoped3A : memref<!tpu.dma_semaphore, #tpu.memory_space<semaphore_mem>>)
      %dma_wait3A = arith.constant 0 : i32
      %dma_wait3A_14 = tpu.memref_slice %arg5[%arg0, %mul3A_2, %dma_wait3A] : memref<2x10240x8xf32, #tpu.memory_space<hbm>> -> memref<1x640x8xf32, #tpu.memory_space<hbm>>
      %dma_wait3A_15 = tpu.memref_squeeze %dma_wait3A_14 : memref<1x640x8xf32, #tpu.memory_space<hbm>> -> memref<640x8xf32, #tpu.memory_space<hbm>>
      %dma_wait3A_16 = arith.constant 0 : i32
      %dma_wait3A_17 = tpu.memref_slice %arg8[%mul3A_2, %dma_wait3A_16] : memref<10240x8xf32, #tpu.memory_space<vmem_shared>> -> memref<640x8xf32, #tpu.memory_space<vmem_shared>>
      tpu.wait_dma2 semaphore(%run_scoped3A : memref<!tpu.dma_semaphore, #tpu.memory_space<semaphore_mem>>) src(%dma_wait3A_17 : memref<640x8xf32, #tpu.memory_space<vmem_shared>>) dst(%dma_wait3A_15 : memref<640x8xf32, #tpu.memory_space<hbm>>)
      tpu.yield
    }) : () -> ()
    return
  }
}

#map = affine_map<(d0, d1) -> (0, 0)>
#map1 = affine_map<(d0, d1) -> (0, 0, 0)>
module attributes {stable_mosaic.version = 14 : i64} {
  func.func @hop_kernel(%arg0: i32, %arg1: i32, %arg2: memref<10240x48xf32, #tpu.memory_space<hbm>>, %arg3: memref<32x80x128xi32, #tpu.memory_space<hbm>>, %arg4: memref<32x80x128xi32, #tpu.memory_space<hbm>>, %arg5: memref<10240x48xf32, #tpu.memory_space<hbm>>, %arg6: memref<2x10240x48xf32, #tpu.memory_space<hbm>>, %arg7: memref<80x128xi32, #tpu.memory_space<vmem>>, %arg8: memref<80x128xi32, #tpu.memory_space<vmem>>, %arg9: memref<2x128x48xf32, #tpu.memory_space<vmem>>, %arg10: memref<10240x48xf32, #tpu.memory_space<vmem_shared>>, %arg11: memref<2x!tpu.dma_semaphore, #tpu.memory_space<semaphore_mem>>) attributes {dimension_semantics = [#tpu.dimension_semantics<core_parallel>, #tpu.dimension_semantics<subcore_parallel>], iteration_bounds = array<i64: 2, 16>, scalar_prefetch = 0 : i64, scratch_operands = 5 : i64, tpu.core_type = #tpu.core_type<sc_vector_subcore>, window_params = [{transform_indices = #map}, {transform_indices = #map1}, {transform_indices = #map1}, {transform_indices = #map}, {transform_indices = #map1}]} {
    %mul3A = arith.constant 16 : i32
    %mul3A_0 = arith.muli %arg0, %mul3A : i32
    %add3A = arith.addi %mul3A_0, %arg1 : i32
    %mul3A_1 = arith.constant 640 : i32
    %mul3A_2 = arith.muli %arg1, %mul3A_1 : i32
    "tpu.region"() ({
      %run_scoped3A = tpu.sem_alloc : memref<!tpu.dma_semaphore, #tpu.memory_space<semaphore_mem>>
      %dma_start3A = arith.constant 0 : i32
      %dma_start3A_10 = tpu.memref_slice %arg10[%mul3A_2, %dma_start3A] : memref<10240x48xf32, #tpu.memory_space<vmem_shared>> -> memref<640x48xf32, #tpu.memory_space<vmem_shared>>
      %dma_start3A_11 = arith.constant 0 : i32
      %dma_start3A_12 = tpu.memref_slice %arg5[%mul3A_2, %dma_start3A_11] : memref<10240x48xf32, #tpu.memory_space<hbm>> -> memref<640x48xf32, #tpu.memory_space<hbm>>
      tpu.enqueue_dma source(%dma_start3A_12 : memref<640x48xf32, #tpu.memory_space<hbm>>) target(%dma_start3A_10 : memref<640x48xf32, #tpu.memory_space<vmem_shared>>) target_semaphore(%run_scoped3A : memref<!tpu.dma_semaphore, #tpu.memory_space<semaphore_mem>>)
      %dma_wait3A = arith.constant 0 : i32
      %dma_wait3A_13 = tpu.memref_slice %arg10[%mul3A_2, %dma_wait3A] : memref<10240x48xf32, #tpu.memory_space<vmem_shared>> -> memref<640x48xf32, #tpu.memory_space<vmem_shared>>
      %dma_wait3A_14 = arith.constant 0 : i32
      %dma_wait3A_15 = tpu.memref_slice %arg5[%mul3A_2, %dma_wait3A_14] : memref<10240x48xf32, #tpu.memory_space<hbm>> -> memref<640x48xf32, #tpu.memory_space<hbm>>
      tpu.wait_dma2 semaphore(%run_scoped3A : memref<!tpu.dma_semaphore, #tpu.memory_space<semaphore_mem>>) src(%dma_wait3A_15 : memref<640x48xf32, #tpu.memory_space<hbm>>) dst(%dma_wait3A_13 : memref<640x48xf32, #tpu.memory_space<vmem_shared>>)
      tpu.yield
    }) : () -> ()
    "tpu.region"() ({
      %run_scoped3A = tpu.sem_alloc : memref<!tpu.dma_semaphore, #tpu.memory_space<semaphore_mem>>
      %dma_start3A = arith.constant 0 : i32
      %dma_start3A_10 = arith.constant 0 : i32
      %dma_start3A_11 = tpu.memref_slice %arg3[%add3A, %dma_start3A, %dma_start3A_10] : memref<32x80x128xi32, #tpu.memory_space<hbm>> -> memref<1x80x128xi32, #tpu.memory_space<hbm>>
      %dma_start3A_12 = tpu.memref_squeeze %dma_start3A_11 : memref<1x80x128xi32, #tpu.memory_space<hbm>> -> memref<80x128xi32, #tpu.memory_space<hbm>>
      %dma_start3A_13 = arith.constant 0 : i32
      %dma_start3A_14 = arith.constant 0 : i32
      %dma_start3A_15 = tpu.memref_slice %arg3[%add3A, %dma_start3A_13, %dma_start3A_14] : memref<32x80x128xi32, #tpu.memory_space<hbm>> -> memref<1x80x128xi32, #tpu.memory_space<hbm>>
      %dma_start3A_16 = tpu.memref_squeeze %dma_start3A_15 : memref<1x80x128xi32, #tpu.memory_space<hbm>> -> memref<80x128xi32, #tpu.memory_space<hbm>>
      tpu.enqueue_dma source(%dma_start3A_16 : memref<80x128xi32, #tpu.memory_space<hbm>>) target(%arg7 : memref<80x128xi32, #tpu.memory_space<vmem>>) target_semaphore(%run_scoped3A : memref<!tpu.dma_semaphore, #tpu.memory_space<semaphore_mem>>)
      %dma_wait3A = arith.constant 0 : i32
      %dma_wait3A_17 = arith.constant 0 : i32
      %dma_wait3A_18 = tpu.memref_slice %arg3[%add3A, %dma_wait3A, %dma_wait3A_17] : memref<32x80x128xi32, #tpu.memory_space<hbm>> -> memref<1x80x128xi32, #tpu.memory_space<hbm>>
      %dma_wait3A_19 = tpu.memref_squeeze %dma_wait3A_18 : memref<1x80x128xi32, #tpu.memory_space<hbm>> -> memref<80x128xi32, #tpu.memory_space<hbm>>
      %dma_wait3A_20 = arith.constant 0 : i32
      %dma_wait3A_21 = arith.constant 0 : i32
      %dma_wait3A_22 = tpu.memref_slice %arg3[%add3A, %dma_wait3A_20, %dma_wait3A_21] : memref<32x80x128xi32, #tpu.memory_space<hbm>> -> memref<1x80x128xi32, #tpu.memory_space<hbm>>
      %dma_wait3A_23 = tpu.memref_squeeze %dma_wait3A_22 : memref<1x80x128xi32, #tpu.memory_space<hbm>> -> memref<80x128xi32, #tpu.memory_space<hbm>>
      tpu.wait_dma2 semaphore(%run_scoped3A : memref<!tpu.dma_semaphore, #tpu.memory_space<semaphore_mem>>) src(%dma_wait3A_23 : memref<80x128xi32, #tpu.memory_space<hbm>>) dst(%arg7 : memref<80x128xi32, #tpu.memory_space<vmem>>)
      tpu.yield
    }) : () -> ()
    "tpu.region"() ({
      %run_scoped3A = tpu.sem_alloc : memref<!tpu.dma_semaphore, #tpu.memory_space<semaphore_mem>>
      %dma_start3A = arith.constant 0 : i32
      %dma_start3A_10 = arith.constant 0 : i32
      %dma_start3A_11 = tpu.memref_slice %arg4[%add3A, %dma_start3A, %dma_start3A_10] : memref<32x80x128xi32, #tpu.memory_space<hbm>> -> memref<1x80x128xi32, #tpu.memory_space<hbm>>
      %dma_start3A_12 = tpu.memref_squeeze %dma_start3A_11 : memref<1x80x128xi32, #tpu.memory_space<hbm>> -> memref<80x128xi32, #tpu.memory_space<hbm>>
      %dma_start3A_13 = arith.constant 0 : i32
      %dma_start3A_14 = arith.constant 0 : i32
      %dma_start3A_15 = tpu.memref_slice %arg4[%add3A, %dma_start3A_13, %dma_start3A_14] : memref<32x80x128xi32, #tpu.memory_space<hbm>> -> memref<1x80x128xi32, #tpu.memory_space<hbm>>
      %dma_start3A_16 = tpu.memref_squeeze %dma_start3A_15 : memref<1x80x128xi32, #tpu.memory_space<hbm>> -> memref<80x128xi32, #tpu.memory_space<hbm>>
      tpu.enqueue_dma source(%dma_start3A_16 : memref<80x128xi32, #tpu.memory_space<hbm>>) target(%arg8 : memref<80x128xi32, #tpu.memory_space<vmem>>) target_semaphore(%run_scoped3A : memref<!tpu.dma_semaphore, #tpu.memory_space<semaphore_mem>>)
      %dma_wait3A = arith.constant 0 : i32
      %dma_wait3A_17 = arith.constant 0 : i32
      %dma_wait3A_18 = tpu.memref_slice %arg4[%add3A, %dma_wait3A, %dma_wait3A_17] : memref<32x80x128xi32, #tpu.memory_space<hbm>> -> memref<1x80x128xi32, #tpu.memory_space<hbm>>
      %dma_wait3A_19 = tpu.memref_squeeze %dma_wait3A_18 : memref<1x80x128xi32, #tpu.memory_space<hbm>> -> memref<80x128xi32, #tpu.memory_space<hbm>>
      %dma_wait3A_20 = arith.constant 0 : i32
      %dma_wait3A_21 = arith.constant 0 : i32
      %dma_wait3A_22 = tpu.memref_slice %arg4[%add3A, %dma_wait3A_20, %dma_wait3A_21] : memref<32x80x128xi32, #tpu.memory_space<hbm>> -> memref<1x80x128xi32, #tpu.memory_space<hbm>>
      %dma_wait3A_23 = tpu.memref_squeeze %dma_wait3A_22 : memref<1x80x128xi32, #tpu.memory_space<hbm>> -> memref<80x128xi32, #tpu.memory_space<hbm>>
      tpu.wait_dma2 semaphore(%run_scoped3A : memref<!tpu.dma_semaphore, #tpu.memory_space<semaphore_mem>>) src(%dma_wait3A_23 : memref<80x128xi32, #tpu.memory_space<hbm>>) dst(%arg8 : memref<80x128xi32, #tpu.memory_space<vmem>>)
      tpu.yield
    }) : () -> ()
    %barrier3A = arith.constant 0 : index
    tpu.barrier barrier_id(%barrier3A)
    %scan3A = arith.constant 0 : i32
    %scan3A_3 = arith.constant 0 : i32
    %scan3A_4 = arith.constant 16 : i32
    %scan3A_5 = arith.addi %scan3A_3, %scan3A_4 : i32
    %scan3A_6 = arith.constant 1 : i32
    scf.for %scan3A_10 = %scan3A_3 to %scan3A_5 step %scan3A_6  : i32 {
      %mul3A_11 = arith.constant 5 : i32
      %mul3A_12 = arith.muli %scan3A_10, %mul3A_11 : i32
      %dma_start3A = arith.constant 0 : i32
      %dma_start3A_13 = arith.constant 0 : i32
      %dma_start3A_14 = arith.constant 0 : i32
      %dma_start3A_15 = arith.constant 0 : i32
      %dma_start3A_16 = tpu.memref_slice %arg9[%dma_start3A, %dma_start3A_14, %dma_start3A_15] : memref<2x128x48xf32, #tpu.memory_space<vmem>> -> memref<1x128x48xf32, #tpu.memory_space<vmem>>
      %dma_start3A_17 = tpu.memref_squeeze %dma_start3A_16 : memref<1x128x48xf32, #tpu.memory_space<vmem>> -> memref<128x48xf32, #tpu.memory_space<vmem>>
      %dma_start3A_18 = arith.constant 0 : i32
      %dma_start3A_19 = tpu.memref_slice %arg7[%mul3A_12, %dma_start3A_18] : memref<80x128xi32, #tpu.memory_space<vmem>> -> memref<1x128xi32, #tpu.memory_space<vmem>>
      %dma_start3A_20 = tpu.memref_squeeze %dma_start3A_19 : memref<1x128xi32, #tpu.memory_space<vmem>> -> memref<128xi32, #tpu.memory_space<vmem>>
      %dma_start3A_21 = arith.constant 0 : i32
      %dma_start3A_22 = arith.constant 0 : i32
      %dma_start3A_23 = tpu.memref_slice %arg2[%dma_start3A_21, %dma_start3A_22] : memref<10240x48xf32, #tpu.memory_space<hbm>> -> memref<10240x48xf32, #tpu.memory_space<hbm>>
      %dma_start3A_24 = tpu.memref_slice %arg11[%dma_start3A_13] : memref<2x!tpu.dma_semaphore, #tpu.memory_space<semaphore_mem>> -> memref<1x!tpu.dma_semaphore, #tpu.memory_space<semaphore_mem>>
      %dma_start3A_25 = tpu.memref_squeeze %dma_start3A_24 : memref<1x!tpu.dma_semaphore, #tpu.memory_space<semaphore_mem>> -> memref<!tpu.dma_semaphore, #tpu.memory_space<semaphore_mem>>
      tpu.enqueue_indirect_dma source(%dma_start3A_23 : memref<10240x48xf32, #tpu.memory_space<hbm>>) target(%dma_start3A_17 : memref<128x48xf32, #tpu.memory_space<vmem>>) offsets(%dma_start3A_20 : memref<128xi32, #tpu.memory_space<vmem>>) semaphore(%dma_start3A_25 : memref<!tpu.dma_semaphore, #tpu.memory_space<semaphore_mem>>)
      %add3A_26 = arith.constant 1 : i32
      %add3A_27 = arith.addi %mul3A_12, %add3A_26 : i32
      %dma_start3A_28 = arith.constant 1 : i32
      %dma_start3A_29 = arith.constant 1 : i32
      %dma_start3A_30 = arith.constant 0 : i32
      %dma_start3A_31 = arith.constant 0 : i32
      %dma_start3A_32 = tpu.memref_slice %arg9[%dma_start3A_28, %dma_start3A_30, %dma_start3A_31] : memref<2x128x48xf32, #tpu.memory_space<vmem>> -> memref<1x128x48xf32, #tpu.memory_space<vmem>>
      %dma_start3A_33 = tpu.memref_squeeze %dma_start3A_32 : memref<1x128x48xf32, #tpu.memory_space<vmem>> -> memref<128x48xf32, #tpu.memory_space<vmem>>
      %dma_start3A_34 = arith.constant 0 : i32
      %dma_start3A_35 = tpu.memref_slice %arg7[%add3A_27, %dma_start3A_34] : memref<80x128xi32, #tpu.memory_space<vmem>> -> memref<1x128xi32, #tpu.memory_space<vmem>>
      %dma_start3A_36 = tpu.memref_squeeze %dma_start3A_35 : memref<1x128xi32, #tpu.memory_space<vmem>> -> memref<128xi32, #tpu.memory_space<vmem>>
      %dma_start3A_37 = arith.constant 0 : i32
      %dma_start3A_38 = arith.constant 0 : i32
      %dma_start3A_39 = tpu.memref_slice %arg2[%dma_start3A_37, %dma_start3A_38] : memref<10240x48xf32, #tpu.memory_space<hbm>> -> memref<10240x48xf32, #tpu.memory_space<hbm>>
      %dma_start3A_40 = tpu.memref_slice %arg11[%dma_start3A_29] : memref<2x!tpu.dma_semaphore, #tpu.memory_space<semaphore_mem>> -> memref<1x!tpu.dma_semaphore, #tpu.memory_space<semaphore_mem>>
      %dma_start3A_41 = tpu.memref_squeeze %dma_start3A_40 : memref<1x!tpu.dma_semaphore, #tpu.memory_space<semaphore_mem>> -> memref<!tpu.dma_semaphore, #tpu.memory_space<semaphore_mem>>
      tpu.enqueue_indirect_dma source(%dma_start3A_39 : memref<10240x48xf32, #tpu.memory_space<hbm>>) target(%dma_start3A_33 : memref<128x48xf32, #tpu.memory_space<vmem>>) offsets(%dma_start3A_36 : memref<128xi32, #tpu.memory_space<vmem>>) semaphore(%dma_start3A_41 : memref<!tpu.dma_semaphore, #tpu.memory_space<semaphore_mem>>)
      %dma_wait3A = arith.constant 0 : i32
      %dma_wait3A_42 = arith.constant 0 : i32
      %dma_wait3A_43 = arith.constant 0 : i32
      %dma_wait3A_44 = arith.constant 0 : i32
      %dma_wait3A_45 = tpu.memref_slice %arg9[%dma_wait3A, %dma_wait3A_43, %dma_wait3A_44] : memref<2x128x48xf32, #tpu.memory_space<vmem>> -> memref<1x128x48xf32, #tpu.memory_space<vmem>>
      %dma_wait3A_46 = tpu.memref_squeeze %dma_wait3A_45 : memref<1x128x48xf32, #tpu.memory_space<vmem>> -> memref<128x48xf32, #tpu.memory_space<vmem>>
      %dma_wait3A_47 = arith.constant 0 : i32
      %dma_wait3A_48 = tpu.memref_slice %arg7[%mul3A_12, %dma_wait3A_47] : memref<80x128xi32, #tpu.memory_space<vmem>> -> memref<1x128xi32, #tpu.memory_space<vmem>>
      %dma_wait3A_49 = tpu.memref_squeeze %dma_wait3A_48 : memref<1x128xi32, #tpu.memory_space<vmem>> -> memref<128xi32, #tpu.memory_space<vmem>>
      %dma_wait3A_50 = arith.constant 0 : i32
      %dma_wait3A_51 = arith.constant 0 : i32
      %dma_wait3A_52 = tpu.memref_slice %arg2[%dma_wait3A_50, %dma_wait3A_51] : memref<10240x48xf32, #tpu.memory_space<hbm>> -> memref<10240x48xf32, #tpu.memory_space<hbm>>
      %dma_wait3A_53 = tpu.memref_slice %arg11[%dma_wait3A_42] : memref<2x!tpu.dma_semaphore, #tpu.memory_space<semaphore_mem>> -> memref<1x!tpu.dma_semaphore, #tpu.memory_space<semaphore_mem>>
      %dma_wait3A_54 = tpu.memref_squeeze %dma_wait3A_53 : memref<1x!tpu.dma_semaphore, #tpu.memory_space<semaphore_mem>> -> memref<!tpu.dma_semaphore, #tpu.memory_space<semaphore_mem>>
      tpu.wait_indirect_dma semaphore(%dma_wait3A_54 : memref<!tpu.dma_semaphore, #tpu.memory_space<semaphore_mem>>) src(%dma_wait3A_52 : memref<10240x48xf32, #tpu.memory_space<hbm>>) dst(%dma_wait3A_46 : memref<128x48xf32, #tpu.memory_space<vmem>>)
      %add3A_55 = arith.constant 0 : i32
      %add3A_56 = arith.addi %mul3A_12, %add3A_55 : i32
      %run_scoped3A = arith.constant 0 : i32
      "tpu.region"() ({
        %run_scoped3A_179 = tpu.sem_alloc : memref<!tpu.dma_semaphore, #tpu.memory_space<semaphore_mem>>
        %dma_start3A_180 = arith.constant 0 : i32
        %dma_start3A_181 = arith.constant 0 : i32
        %dma_start3A_182 = tpu.memref_slice %arg9[%run_scoped3A, %dma_start3A_180, %dma_start3A_181] : memref<2x128x48xf32, #tpu.memory_space<vmem>> -> memref<1x128x48xf32, #tpu.memory_space<vmem>>
        %dma_start3A_183 = tpu.memref_squeeze %dma_start3A_182 : memref<1x128x48xf32, #tpu.memory_space<vmem>> -> memref<128x48xf32, #tpu.memory_space<vmem>>
        %dma_start3A_184 = arith.constant 0 : i32
        %dma_start3A_185 = tpu.memref_slice %arg8[%add3A_56, %dma_start3A_184] : memref<80x128xi32, #tpu.memory_space<vmem>> -> memref<1x128xi32, #tpu.memory_space<vmem>>
        %dma_start3A_186 = tpu.memref_squeeze %dma_start3A_185 : memref<1x128xi32, #tpu.memory_space<vmem>> -> memref<128xi32, #tpu.memory_space<vmem>>
        %dma_start3A_187 = arith.constant 0 : i32
        %dma_start3A_188 = arith.constant 0 : i32
        %dma_start3A_189 = tpu.memref_slice %arg10[%dma_start3A_187, %dma_start3A_188] : memref<10240x48xf32, #tpu.memory_space<vmem_shared>> -> memref<10240x48xf32, #tpu.memory_space<vmem_shared>>
        tpu.enqueue_indirect_dma source(%dma_start3A_183 : memref<128x48xf32, #tpu.memory_space<vmem>>) target(%dma_start3A_189 : memref<10240x48xf32, #tpu.memory_space<vmem_shared>>) offsets(%dma_start3A_186 : memref<128xi32, #tpu.memory_space<vmem>>) semaphore(%run_scoped3A_179 : memref<!tpu.dma_semaphore, #tpu.memory_space<semaphore_mem>>) {add = true}
        %dma_wait3A_190 = arith.constant 0 : i32
        %dma_wait3A_191 = arith.constant 0 : i32
        %dma_wait3A_192 = tpu.memref_slice %arg9[%run_scoped3A, %dma_wait3A_190, %dma_wait3A_191] : memref<2x128x48xf32, #tpu.memory_space<vmem>> -> memref<1x128x48xf32, #tpu.memory_space<vmem>>
        %dma_wait3A_193 = tpu.memref_squeeze %dma_wait3A_192 : memref<1x128x48xf32, #tpu.memory_space<vmem>> -> memref<128x48xf32, #tpu.memory_space<vmem>>
        %dma_wait3A_194 = arith.constant 0 : i32
        %dma_wait3A_195 = tpu.memref_slice %arg8[%add3A_56, %dma_wait3A_194] : memref<80x128xi32, #tpu.memory_space<vmem>> -> memref<1x128xi32, #tpu.memory_space<vmem>>
        %dma_wait3A_196 = tpu.memref_squeeze %dma_wait3A_195 : memref<1x128xi32, #tpu.memory_space<vmem>> -> memref<128xi32, #tpu.memory_space<vmem>>
        %dma_wait3A_197 = arith.constant 0 : i32
        %dma_wait3A_198 = arith.constant 0 : i32
        %dma_wait3A_199 = tpu.memref_slice %arg10[%dma_wait3A_197, %dma_wait3A_198] : memref<10240x48xf32, #tpu.memory_space<vmem_shared>> -> memref<10240x48xf32, #tpu.memory_space<vmem_shared>>
        tpu.wait_indirect_dma semaphore(%run_scoped3A_179 : memref<!tpu.dma_semaphore, #tpu.memory_space<semaphore_mem>>) src(%dma_wait3A_193 : memref<128x48xf32, #tpu.memory_space<vmem>>) dst(%dma_wait3A_199 : memref<10240x48xf32, #tpu.memory_space<vmem_shared>>)
        tpu.yield
      }) : () -> ()
      %add3A_57 = arith.constant 0 : i32
      %add3A_58 = arith.addi %mul3A_12, %add3A_57 : i32
      %add3A_59 = arith.constant 2 : i32
      %add3A_60 = arith.addi %add3A_58, %add3A_59 : i32
      %dma_start3A_61 = arith.constant 0 : i32
      %dma_start3A_62 = arith.constant 0 : i32
      %dma_start3A_63 = arith.constant 0 : i32
      %dma_start3A_64 = arith.constant 0 : i32
      %dma_start3A_65 = tpu.memref_slice %arg9[%dma_start3A_61, %dma_start3A_63, %dma_start3A_64] : memref<2x128x48xf32, #tpu.memory_space<vmem>> -> memref<1x128x48xf32, #tpu.memory_space<vmem>>
      %dma_start3A_66 = tpu.memref_squeeze %dma_start3A_65 : memref<1x128x48xf32, #tpu.memory_space<vmem>> -> memref<128x48xf32, #tpu.memory_space<vmem>>
      %dma_start3A_67 = arith.constant 0 : i32
      %dma_start3A_68 = tpu.memref_slice %arg7[%add3A_60, %dma_start3A_67] : memref<80x128xi32, #tpu.memory_space<vmem>> -> memref<1x128xi32, #tpu.memory_space<vmem>>
      %dma_start3A_69 = tpu.memref_squeeze %dma_start3A_68 : memref<1x128xi32, #tpu.memory_space<vmem>> -> memref<128xi32, #tpu.memory_space<vmem>>
      %dma_start3A_70 = arith.constant 0 : i32
      %dma_start3A_71 = arith.constant 0 : i32
      %dma_start3A_72 = tpu.memref_slice %arg2[%dma_start3A_70, %dma_start3A_71] : memref<10240x48xf32, #tpu.memory_space<hbm>> -> memref<10240x48xf32, #tpu.memory_space<hbm>>
      %dma_start3A_73 = tpu.memref_slice %arg11[%dma_start3A_62] : memref<2x!tpu.dma_semaphore, #tpu.memory_space<semaphore_mem>> -> memref<1x!tpu.dma_semaphore, #tpu.memory_space<semaphore_mem>>
      %dma_start3A_74 = tpu.memref_squeeze %dma_start3A_73 : memref<1x!tpu.dma_semaphore, #tpu.memory_space<semaphore_mem>> -> memref<!tpu.dma_semaphore, #tpu.memory_space<semaphore_mem>>
      tpu.enqueue_indirect_dma source(%dma_start3A_72 : memref<10240x48xf32, #tpu.memory_space<hbm>>) target(%dma_start3A_66 : memref<128x48xf32, #tpu.memory_space<vmem>>) offsets(%dma_start3A_69 : memref<128xi32, #tpu.memory_space<vmem>>) semaphore(%dma_start3A_74 : memref<!tpu.dma_semaphore, #tpu.memory_space<semaphore_mem>>)
      %dma_wait3A_75 = arith.constant 1 : i32
      %dma_wait3A_76 = arith.constant 1 : i32
      %dma_wait3A_77 = arith.constant 0 : i32
      %dma_wait3A_78 = arith.constant 0 : i32
      %dma_wait3A_79 = tpu.memref_slice %arg9[%dma_wait3A_75, %dma_wait3A_77, %dma_wait3A_78] : memref<2x128x48xf32, #tpu.memory_space<vmem>> -> memref<1x128x48xf32, #tpu.memory_space<vmem>>
      %dma_wait3A_80 = tpu.memref_squeeze %dma_wait3A_79 : memref<1x128x48xf32, #tpu.memory_space<vmem>> -> memref<128x48xf32, #tpu.memory_space<vmem>>
      %dma_wait3A_81 = arith.constant 0 : i32
      %dma_wait3A_82 = tpu.memref_slice %arg7[%add3A_27, %dma_wait3A_81] : memref<80x128xi32, #tpu.memory_space<vmem>> -> memref<1x128xi32, #tpu.memory_space<vmem>>
      %dma_wait3A_83 = tpu.memref_squeeze %dma_wait3A_82 : memref<1x128xi32, #tpu.memory_space<vmem>> -> memref<128xi32, #tpu.memory_space<vmem>>
      %dma_wait3A_84 = arith.constant 0 : i32
      %dma_wait3A_85 = arith.constant 0 : i32
      %dma_wait3A_86 = tpu.memref_slice %arg2[%dma_wait3A_84, %dma_wait3A_85] : memref<10240x48xf32, #tpu.memory_space<hbm>> -> memref<10240x48xf32, #tpu.memory_space<hbm>>
      %dma_wait3A_87 = tpu.memref_slice %arg11[%dma_wait3A_76] : memref<2x!tpu.dma_semaphore, #tpu.memory_space<semaphore_mem>> -> memref<1x!tpu.dma_semaphore, #tpu.memory_space<semaphore_mem>>
      %dma_wait3A_88 = tpu.memref_squeeze %dma_wait3A_87 : memref<1x!tpu.dma_semaphore, #tpu.memory_space<semaphore_mem>> -> memref<!tpu.dma_semaphore, #tpu.memory_space<semaphore_mem>>
      tpu.wait_indirect_dma semaphore(%dma_wait3A_88 : memref<!tpu.dma_semaphore, #tpu.memory_space<semaphore_mem>>) src(%dma_wait3A_86 : memref<10240x48xf32, #tpu.memory_space<hbm>>) dst(%dma_wait3A_80 : memref<128x48xf32, #tpu.memory_space<vmem>>)
      %add3A_89 = arith.constant 1 : i32
      %add3A_90 = arith.addi %mul3A_12, %add3A_89 : i32
      %run_scoped3A_91 = arith.constant 1 : i32
      "tpu.region"() ({
        %run_scoped3A_179 = tpu.sem_alloc : memref<!tpu.dma_semaphore, #tpu.memory_space<semaphore_mem>>
        %dma_start3A_180 = arith.constant 0 : i32
        %dma_start3A_181 = arith.constant 0 : i32
        %dma_start3A_182 = tpu.memref_slice %arg9[%run_scoped3A_91, %dma_start3A_180, %dma_start3A_181] : memref<2x128x48xf32, #tpu.memory_space<vmem>> -> memref<1x128x48xf32, #tpu.memory_space<vmem>>
        %dma_start3A_183 = tpu.memref_squeeze %dma_start3A_182 : memref<1x128x48xf32, #tpu.memory_space<vmem>> -> memref<128x48xf32, #tpu.memory_space<vmem>>
        %dma_start3A_184 = arith.constant 0 : i32
        %dma_start3A_185 = tpu.memref_slice %arg8[%add3A_90, %dma_start3A_184] : memref<80x128xi32, #tpu.memory_space<vmem>> -> memref<1x128xi32, #tpu.memory_space<vmem>>
        %dma_start3A_186 = tpu.memref_squeeze %dma_start3A_185 : memref<1x128xi32, #tpu.memory_space<vmem>> -> memref<128xi32, #tpu.memory_space<vmem>>
        %dma_start3A_187 = arith.constant 0 : i32
        %dma_start3A_188 = arith.constant 0 : i32
        %dma_start3A_189 = tpu.memref_slice %arg10[%dma_start3A_187, %dma_start3A_188] : memref<10240x48xf32, #tpu.memory_space<vmem_shared>> -> memref<10240x48xf32, #tpu.memory_space<vmem_shared>>
        tpu.enqueue_indirect_dma source(%dma_start3A_183 : memref<128x48xf32, #tpu.memory_space<vmem>>) target(%dma_start3A_189 : memref<10240x48xf32, #tpu.memory_space<vmem_shared>>) offsets(%dma_start3A_186 : memref<128xi32, #tpu.memory_space<vmem>>) semaphore(%run_scoped3A_179 : memref<!tpu.dma_semaphore, #tpu.memory_space<semaphore_mem>>) {add = true}
        %dma_wait3A_190 = arith.constant 0 : i32
        %dma_wait3A_191 = arith.constant 0 : i32
        %dma_wait3A_192 = tpu.memref_slice %arg9[%run_scoped3A_91, %dma_wait3A_190, %dma_wait3A_191] : memref<2x128x48xf32, #tpu.memory_space<vmem>> -> memref<1x128x48xf32, #tpu.memory_space<vmem>>
        %dma_wait3A_193 = tpu.memref_squeeze %dma_wait3A_192 : memref<1x128x48xf32, #tpu.memory_space<vmem>> -> memref<128x48xf32, #tpu.memory_space<vmem>>
        %dma_wait3A_194 = arith.constant 0 : i32
        %dma_wait3A_195 = tpu.memref_slice %arg8[%add3A_90, %dma_wait3A_194] : memref<80x128xi32, #tpu.memory_space<vmem>> -> memref<1x128xi32, #tpu.memory_space<vmem>>
        %dma_wait3A_196 = tpu.memref_squeeze %dma_wait3A_195 : memref<1x128xi32, #tpu.memory_space<vmem>> -> memref<128xi32, #tpu.memory_space<vmem>>
        %dma_wait3A_197 = arith.constant 0 : i32
        %dma_wait3A_198 = arith.constant 0 : i32
        %dma_wait3A_199 = tpu.memref_slice %arg10[%dma_wait3A_197, %dma_wait3A_198] : memref<10240x48xf32, #tpu.memory_space<vmem_shared>> -> memref<10240x48xf32, #tpu.memory_space<vmem_shared>>
        tpu.wait_indirect_dma semaphore(%run_scoped3A_179 : memref<!tpu.dma_semaphore, #tpu.memory_space<semaphore_mem>>) src(%dma_wait3A_193 : memref<128x48xf32, #tpu.memory_space<vmem>>) dst(%dma_wait3A_199 : memref<10240x48xf32, #tpu.memory_space<vmem_shared>>)
        tpu.yield
      }) : () -> ()
      %add3A_92 = arith.constant 1 : i32
      %add3A_93 = arith.addi %mul3A_12, %add3A_92 : i32
      %add3A_94 = arith.constant 2 : i32
      %add3A_95 = arith.addi %add3A_93, %add3A_94 : i32
      %dma_start3A_96 = arith.constant 1 : i32
      %dma_start3A_97 = arith.constant 1 : i32
      %dma_start3A_98 = arith.constant 0 : i32
      %dma_start3A_99 = arith.constant 0 : i32
      %dma_start3A_100 = tpu.memref_slice %arg9[%dma_start3A_96, %dma_start3A_98, %dma_start3A_99] : memref<2x128x48xf32, #tpu.memory_space<vmem>> -> memref<1x128x48xf32, #tpu.memory_space<vmem>>
      %dma_start3A_101 = tpu.memref_squeeze %dma_start3A_100 : memref<1x128x48xf32, #tpu.memory_space<vmem>> -> memref<128x48xf32, #tpu.memory_space<vmem>>
      %dma_start3A_102 = arith.constant 0 : i32
      %dma_start3A_103 = tpu.memref_slice %arg7[%add3A_95, %dma_start3A_102] : memref<80x128xi32, #tpu.memory_space<vmem>> -> memref<1x128xi32, #tpu.memory_space<vmem>>
      %dma_start3A_104 = tpu.memref_squeeze %dma_start3A_103 : memref<1x128xi32, #tpu.memory_space<vmem>> -> memref<128xi32, #tpu.memory_space<vmem>>
      %dma_start3A_105 = arith.constant 0 : i32
      %dma_start3A_106 = arith.constant 0 : i32
      %dma_start3A_107 = tpu.memref_slice %arg2[%dma_start3A_105, %dma_start3A_106] : memref<10240x48xf32, #tpu.memory_space<hbm>> -> memref<10240x48xf32, #tpu.memory_space<hbm>>
      %dma_start3A_108 = tpu.memref_slice %arg11[%dma_start3A_97] : memref<2x!tpu.dma_semaphore, #tpu.memory_space<semaphore_mem>> -> memref<1x!tpu.dma_semaphore, #tpu.memory_space<semaphore_mem>>
      %dma_start3A_109 = tpu.memref_squeeze %dma_start3A_108 : memref<1x!tpu.dma_semaphore, #tpu.memory_space<semaphore_mem>> -> memref<!tpu.dma_semaphore, #tpu.memory_space<semaphore_mem>>
      tpu.enqueue_indirect_dma source(%dma_start3A_107 : memref<10240x48xf32, #tpu.memory_space<hbm>>) target(%dma_start3A_101 : memref<128x48xf32, #tpu.memory_space<vmem>>) offsets(%dma_start3A_104 : memref<128xi32, #tpu.memory_space<vmem>>) semaphore(%dma_start3A_109 : memref<!tpu.dma_semaphore, #tpu.memory_space<semaphore_mem>>)
      %dma_wait3A_110 = arith.constant 0 : i32
      %dma_wait3A_111 = arith.constant 0 : i32
      %dma_wait3A_112 = arith.constant 0 : i32
      %dma_wait3A_113 = arith.constant 0 : i32
      %dma_wait3A_114 = tpu.memref_slice %arg9[%dma_wait3A_110, %dma_wait3A_112, %dma_wait3A_113] : memref<2x128x48xf32, #tpu.memory_space<vmem>> -> memref<1x128x48xf32, #tpu.memory_space<vmem>>
      %dma_wait3A_115 = tpu.memref_squeeze %dma_wait3A_114 : memref<1x128x48xf32, #tpu.memory_space<vmem>> -> memref<128x48xf32, #tpu.memory_space<vmem>>
      %dma_wait3A_116 = arith.constant 0 : i32
      %dma_wait3A_117 = tpu.memref_slice %arg7[%add3A_60, %dma_wait3A_116] : memref<80x128xi32, #tpu.memory_space<vmem>> -> memref<1x128xi32, #tpu.memory_space<vmem>>
      %dma_wait3A_118 = tpu.memref_squeeze %dma_wait3A_117 : memref<1x128xi32, #tpu.memory_space<vmem>> -> memref<128xi32, #tpu.memory_space<vmem>>
      %dma_wait3A_119 = arith.constant 0 : i32
      %dma_wait3A_120 = arith.constant 0 : i32
      %dma_wait3A_121 = tpu.memref_slice %arg2[%dma_wait3A_119, %dma_wait3A_120] : memref<10240x48xf32, #tpu.memory_space<hbm>> -> memref<10240x48xf32, #tpu.memory_space<hbm>>
      %dma_wait3A_122 = tpu.memref_slice %arg11[%dma_wait3A_111] : memref<2x!tpu.dma_semaphore, #tpu.memory_space<semaphore_mem>> -> memref<1x!tpu.dma_semaphore, #tpu.memory_space<semaphore_mem>>
      %dma_wait3A_123 = tpu.memref_squeeze %dma_wait3A_122 : memref<1x!tpu.dma_semaphore, #tpu.memory_space<semaphore_mem>> -> memref<!tpu.dma_semaphore, #tpu.memory_space<semaphore_mem>>
      tpu.wait_indirect_dma semaphore(%dma_wait3A_123 : memref<!tpu.dma_semaphore, #tpu.memory_space<semaphore_mem>>) src(%dma_wait3A_121 : memref<10240x48xf32, #tpu.memory_space<hbm>>) dst(%dma_wait3A_115 : memref<128x48xf32, #tpu.memory_space<vmem>>)
      %add3A_124 = arith.constant 2 : i32
      %add3A_125 = arith.addi %mul3A_12, %add3A_124 : i32
      %run_scoped3A_126 = arith.constant 0 : i32
      "tpu.region"() ({
        %run_scoped3A_179 = tpu.sem_alloc : memref<!tpu.dma_semaphore, #tpu.memory_space<semaphore_mem>>
        %dma_start3A_180 = arith.constant 0 : i32
        %dma_start3A_181 = arith.constant 0 : i32
        %dma_start3A_182 = tpu.memref_slice %arg9[%run_scoped3A_126, %dma_start3A_180, %dma_start3A_181] : memref<2x128x48xf32, #tpu.memory_space<vmem>> -> memref<1x128x48xf32, #tpu.memory_space<vmem>>
        %dma_start3A_183 = tpu.memref_squeeze %dma_start3A_182 : memref<1x128x48xf32, #tpu.memory_space<vmem>> -> memref<128x48xf32, #tpu.memory_space<vmem>>
        %dma_start3A_184 = arith.constant 0 : i32
        %dma_start3A_185 = tpu.memref_slice %arg8[%add3A_125, %dma_start3A_184] : memref<80x128xi32, #tpu.memory_space<vmem>> -> memref<1x128xi32, #tpu.memory_space<vmem>>
        %dma_start3A_186 = tpu.memref_squeeze %dma_start3A_185 : memref<1x128xi32, #tpu.memory_space<vmem>> -> memref<128xi32, #tpu.memory_space<vmem>>
        %dma_start3A_187 = arith.constant 0 : i32
        %dma_start3A_188 = arith.constant 0 : i32
        %dma_start3A_189 = tpu.memref_slice %arg10[%dma_start3A_187, %dma_start3A_188] : memref<10240x48xf32, #tpu.memory_space<vmem_shared>> -> memref<10240x48xf32, #tpu.memory_space<vmem_shared>>
        tpu.enqueue_indirect_dma source(%dma_start3A_183 : memref<128x48xf32, #tpu.memory_space<vmem>>) target(%dma_start3A_189 : memref<10240x48xf32, #tpu.memory_space<vmem_shared>>) offsets(%dma_start3A_186 : memref<128xi32, #tpu.memory_space<vmem>>) semaphore(%run_scoped3A_179 : memref<!tpu.dma_semaphore, #tpu.memory_space<semaphore_mem>>) {add = true}
        %dma_wait3A_190 = arith.constant 0 : i32
        %dma_wait3A_191 = arith.constant 0 : i32
        %dma_wait3A_192 = tpu.memref_slice %arg9[%run_scoped3A_126, %dma_wait3A_190, %dma_wait3A_191] : memref<2x128x48xf32, #tpu.memory_space<vmem>> -> memref<1x128x48xf32, #tpu.memory_space<vmem>>
        %dma_wait3A_193 = tpu.memref_squeeze %dma_wait3A_192 : memref<1x128x48xf32, #tpu.memory_space<vmem>> -> memref<128x48xf32, #tpu.memory_space<vmem>>
        %dma_wait3A_194 = arith.constant 0 : i32
        %dma_wait3A_195 = tpu.memref_slice %arg8[%add3A_125, %dma_wait3A_194] : memref<80x128xi32, #tpu.memory_space<vmem>> -> memref<1x128xi32, #tpu.memory_space<vmem>>
        %dma_wait3A_196 = tpu.memref_squeeze %dma_wait3A_195 : memref<1x128xi32, #tpu.memory_space<vmem>> -> memref<128xi32, #tpu.memory_space<vmem>>
        %dma_wait3A_197 = arith.constant 0 : i32
        %dma_wait3A_198 = arith.constant 0 : i32
        %dma_wait3A_199 = tpu.memref_slice %arg10[%dma_wait3A_197, %dma_wait3A_198] : memref<10240x48xf32, #tpu.memory_space<vmem_shared>> -> memref<10240x48xf32, #tpu.memory_space<vmem_shared>>
        tpu.wait_indirect_dma semaphore(%run_scoped3A_179 : memref<!tpu.dma_semaphore, #tpu.memory_space<semaphore_mem>>) src(%dma_wait3A_193 : memref<128x48xf32, #tpu.memory_space<vmem>>) dst(%dma_wait3A_199 : memref<10240x48xf32, #tpu.memory_space<vmem_shared>>)
        tpu.yield
      }) : () -> ()
      %add3A_127 = arith.constant 2 : i32
      %add3A_128 = arith.addi %mul3A_12, %add3A_127 : i32
      %add3A_129 = arith.constant 2 : i32
      %add3A_130 = arith.addi %add3A_128, %add3A_129 : i32
      %dma_start3A_131 = arith.constant 0 : i32
      %dma_start3A_132 = arith.constant 0 : i32
      %dma_start3A_133 = arith.constant 0 : i32
      %dma_start3A_134 = arith.constant 0 : i32
      %dma_start3A_135 = tpu.memref_slice %arg9[%dma_start3A_131, %dma_start3A_133, %dma_start3A_134] : memref<2x128x48xf32, #tpu.memory_space<vmem>> -> memref<1x128x48xf32, #tpu.memory_space<vmem>>
      %dma_start3A_136 = tpu.memref_squeeze %dma_start3A_135 : memref<1x128x48xf32, #tpu.memory_space<vmem>> -> memref<128x48xf32, #tpu.memory_space<vmem>>
      %dma_start3A_137 = arith.constant 0 : i32
      %dma_start3A_138 = tpu.memref_slice %arg7[%add3A_130, %dma_start3A_137] : memref<80x128xi32, #tpu.memory_space<vmem>> -> memref<1x128xi32, #tpu.memory_space<vmem>>
      %dma_start3A_139 = tpu.memref_squeeze %dma_start3A_138 : memref<1x128xi32, #tpu.memory_space<vmem>> -> memref<128xi32, #tpu.memory_space<vmem>>
      %dma_start3A_140 = arith.constant 0 : i32
      %dma_start3A_141 = arith.constant 0 : i32
      %dma_start3A_142 = tpu.memref_slice %arg2[%dma_start3A_140, %dma_start3A_141] : memref<10240x48xf32, #tpu.memory_space<hbm>> -> memref<10240x48xf32, #tpu.memory_space<hbm>>
      %dma_start3A_143 = tpu.memref_slice %arg11[%dma_start3A_132] : memref<2x!tpu.dma_semaphore, #tpu.memory_space<semaphore_mem>> -> memref<1x!tpu.dma_semaphore, #tpu.memory_space<semaphore_mem>>
      %dma_start3A_144 = tpu.memref_squeeze %dma_start3A_143 : memref<1x!tpu.dma_semaphore, #tpu.memory_space<semaphore_mem>> -> memref<!tpu.dma_semaphore, #tpu.memory_space<semaphore_mem>>
      tpu.enqueue_indirect_dma source(%dma_start3A_142 : memref<10240x48xf32, #tpu.memory_space<hbm>>) target(%dma_start3A_136 : memref<128x48xf32, #tpu.memory_space<vmem>>) offsets(%dma_start3A_139 : memref<128xi32, #tpu.memory_space<vmem>>) semaphore(%dma_start3A_144 : memref<!tpu.dma_semaphore, #tpu.memory_space<semaphore_mem>>)
      %dma_wait3A_145 = arith.constant 1 : i32
      %dma_wait3A_146 = arith.constant 1 : i32
      %dma_wait3A_147 = arith.constant 0 : i32
      %dma_wait3A_148 = arith.constant 0 : i32
      %dma_wait3A_149 = tpu.memref_slice %arg9[%dma_wait3A_145, %dma_wait3A_147, %dma_wait3A_148] : memref<2x128x48xf32, #tpu.memory_space<vmem>> -> memref<1x128x48xf32, #tpu.memory_space<vmem>>
      %dma_wait3A_150 = tpu.memref_squeeze %dma_wait3A_149 : memref<1x128x48xf32, #tpu.memory_space<vmem>> -> memref<128x48xf32, #tpu.memory_space<vmem>>
      %dma_wait3A_151 = arith.constant 0 : i32
      %dma_wait3A_152 = tpu.memref_slice %arg7[%add3A_95, %dma_wait3A_151] : memref<80x128xi32, #tpu.memory_space<vmem>> -> memref<1x128xi32, #tpu.memory_space<vmem>>
      %dma_wait3A_153 = tpu.memref_squeeze %dma_wait3A_152 : memref<1x128xi32, #tpu.memory_space<vmem>> -> memref<128xi32, #tpu.memory_space<vmem>>
      %dma_wait3A_154 = arith.constant 0 : i32
      %dma_wait3A_155 = arith.constant 0 : i32
      %dma_wait3A_156 = tpu.memref_slice %arg2[%dma_wait3A_154, %dma_wait3A_155] : memref<10240x48xf32, #tpu.memory_space<hbm>> -> memref<10240x48xf32, #tpu.memory_space<hbm>>
      %dma_wait3A_157 = tpu.memref_slice %arg11[%dma_wait3A_146] : memref<2x!tpu.dma_semaphore, #tpu.memory_space<semaphore_mem>> -> memref<1x!tpu.dma_semaphore, #tpu.memory_space<semaphore_mem>>
      %dma_wait3A_158 = tpu.memref_squeeze %dma_wait3A_157 : memref<1x!tpu.dma_semaphore, #tpu.memory_space<semaphore_mem>> -> memref<!tpu.dma_semaphore, #tpu.memory_space<semaphore_mem>>
      tpu.wait_indirect_dma semaphore(%dma_wait3A_158 : memref<!tpu.dma_semaphore, #tpu.memory_space<semaphore_mem>>) src(%dma_wait3A_156 : memref<10240x48xf32, #tpu.memory_space<hbm>>) dst(%dma_wait3A_150 : memref<128x48xf32, #tpu.memory_space<vmem>>)
      %add3A_159 = arith.constant 3 : i32
      %add3A_160 = arith.addi %mul3A_12, %add3A_159 : i32
      %run_scoped3A_161 = arith.constant 1 : i32
      "tpu.region"() ({
        %run_scoped3A_179 = tpu.sem_alloc : memref<!tpu.dma_semaphore, #tpu.memory_space<semaphore_mem>>
        %dma_start3A_180 = arith.constant 0 : i32
        %dma_start3A_181 = arith.constant 0 : i32
        %dma_start3A_182 = tpu.memref_slice %arg9[%run_scoped3A_161, %dma_start3A_180, %dma_start3A_181] : memref<2x128x48xf32, #tpu.memory_space<vmem>> -> memref<1x128x48xf32, #tpu.memory_space<vmem>>
        %dma_start3A_183 = tpu.memref_squeeze %dma_start3A_182 : memref<1x128x48xf32, #tpu.memory_space<vmem>> -> memref<128x48xf32, #tpu.memory_space<vmem>>
        %dma_start3A_184 = arith.constant 0 : i32
        %dma_start3A_185 = tpu.memref_slice %arg8[%add3A_160, %dma_start3A_184] : memref<80x128xi32, #tpu.memory_space<vmem>> -> memref<1x128xi32, #tpu.memory_space<vmem>>
        %dma_start3A_186 = tpu.memref_squeeze %dma_start3A_185 : memref<1x128xi32, #tpu.memory_space<vmem>> -> memref<128xi32, #tpu.memory_space<vmem>>
        %dma_start3A_187 = arith.constant 0 : i32
        %dma_start3A_188 = arith.constant 0 : i32
        %dma_start3A_189 = tpu.memref_slice %arg10[%dma_start3A_187, %dma_start3A_188] : memref<10240x48xf32, #tpu.memory_space<vmem_shared>> -> memref<10240x48xf32, #tpu.memory_space<vmem_shared>>
        tpu.enqueue_indirect_dma source(%dma_start3A_183 : memref<128x48xf32, #tpu.memory_space<vmem>>) target(%dma_start3A_189 : memref<10240x48xf32, #tpu.memory_space<vmem_shared>>) offsets(%dma_start3A_186 : memref<128xi32, #tpu.memory_space<vmem>>) semaphore(%run_scoped3A_179 : memref<!tpu.dma_semaphore, #tpu.memory_space<semaphore_mem>>) {add = true}
        %dma_wait3A_190 = arith.constant 0 : i32
        %dma_wait3A_191 = arith.constant 0 : i32
        %dma_wait3A_192 = tpu.memref_slice %arg9[%run_scoped3A_161, %dma_wait3A_190, %dma_wait3A_191] : memref<2x128x48xf32, #tpu.memory_space<vmem>> -> memref<1x128x48xf32, #tpu.memory_space<vmem>>
        %dma_wait3A_193 = tpu.memref_squeeze %dma_wait3A_192 : memref<1x128x48xf32, #tpu.memory_space<vmem>> -> memref<128x48xf32, #tpu.memory_space<vmem>>
        %dma_wait3A_194 = arith.constant 0 : i32
        %dma_wait3A_195 = tpu.memref_slice %arg8[%add3A_160, %dma_wait3A_194] : memref<80x128xi32, #tpu.memory_space<vmem>> -> memref<1x128xi32, #tpu.memory_space<vmem>>
        %dma_wait3A_196 = tpu.memref_squeeze %dma_wait3A_195 : memref<1x128xi32, #tpu.memory_space<vmem>> -> memref<128xi32, #tpu.memory_space<vmem>>
        %dma_wait3A_197 = arith.constant 0 : i32
        %dma_wait3A_198 = arith.constant 0 : i32
        %dma_wait3A_199 = tpu.memref_slice %arg10[%dma_wait3A_197, %dma_wait3A_198] : memref<10240x48xf32, #tpu.memory_space<vmem_shared>> -> memref<10240x48xf32, #tpu.memory_space<vmem_shared>>
        tpu.wait_indirect_dma semaphore(%run_scoped3A_179 : memref<!tpu.dma_semaphore, #tpu.memory_space<semaphore_mem>>) src(%dma_wait3A_193 : memref<128x48xf32, #tpu.memory_space<vmem>>) dst(%dma_wait3A_199 : memref<10240x48xf32, #tpu.memory_space<vmem_shared>>)
        tpu.yield
      }) : () -> ()
      %dma_wait3A_162 = arith.constant 0 : i32
      %dma_wait3A_163 = arith.constant 0 : i32
      %dma_wait3A_164 = arith.constant 0 : i32
      %dma_wait3A_165 = arith.constant 0 : i32
      %dma_wait3A_166 = tpu.memref_slice %arg9[%dma_wait3A_162, %dma_wait3A_164, %dma_wait3A_165] : memref<2x128x48xf32, #tpu.memory_space<vmem>> -> memref<1x128x48xf32, #tpu.memory_space<vmem>>
      %dma_wait3A_167 = tpu.memref_squeeze %dma_wait3A_166 : memref<1x128x48xf32, #tpu.memory_space<vmem>> -> memref<128x48xf32, #tpu.memory_space<vmem>>
      %dma_wait3A_168 = arith.constant 0 : i32
      %dma_wait3A_169 = tpu.memref_slice %arg7[%add3A_130, %dma_wait3A_168] : memref<80x128xi32, #tpu.memory_space<vmem>> -> memref<1x128xi32, #tpu.memory_space<vmem>>
      %dma_wait3A_170 = tpu.memref_squeeze %dma_wait3A_169 : memref<1x128xi32, #tpu.memory_space<vmem>> -> memref<128xi32, #tpu.memory_space<vmem>>
      %dma_wait3A_171 = arith.constant 0 : i32
      %dma_wait3A_172 = arith.constant 0 : i32
      %dma_wait3A_173 = tpu.memref_slice %arg2[%dma_wait3A_171, %dma_wait3A_172] : memref<10240x48xf32, #tpu.memory_space<hbm>> -> memref<10240x48xf32, #tpu.memory_space<hbm>>
      %dma_wait3A_174 = tpu.memref_slice %arg11[%dma_wait3A_163] : memref<2x!tpu.dma_semaphore, #tpu.memory_space<semaphore_mem>> -> memref<1x!tpu.dma_semaphore, #tpu.memory_space<semaphore_mem>>
      %dma_wait3A_175 = tpu.memref_squeeze %dma_wait3A_174 : memref<1x!tpu.dma_semaphore, #tpu.memory_space<semaphore_mem>> -> memref<!tpu.dma_semaphore, #tpu.memory_space<semaphore_mem>>
      tpu.wait_indirect_dma semaphore(%dma_wait3A_175 : memref<!tpu.dma_semaphore, #tpu.memory_space<semaphore_mem>>) src(%dma_wait3A_173 : memref<10240x48xf32, #tpu.memory_space<hbm>>) dst(%dma_wait3A_167 : memref<128x48xf32, #tpu.memory_space<vmem>>)
      %add3A_176 = arith.constant 4 : i32
      %add3A_177 = arith.addi %mul3A_12, %add3A_176 : i32
      %run_scoped3A_178 = arith.constant 0 : i32
      "tpu.region"() ({
        %run_scoped3A_179 = tpu.sem_alloc : memref<!tpu.dma_semaphore, #tpu.memory_space<semaphore_mem>>
        %dma_start3A_180 = arith.constant 0 : i32
        %dma_start3A_181 = arith.constant 0 : i32
        %dma_start3A_182 = tpu.memref_slice %arg9[%run_scoped3A_178, %dma_start3A_180, %dma_start3A_181] : memref<2x128x48xf32, #tpu.memory_space<vmem>> -> memref<1x128x48xf32, #tpu.memory_space<vmem>>
        %dma_start3A_183 = tpu.memref_squeeze %dma_start3A_182 : memref<1x128x48xf32, #tpu.memory_space<vmem>> -> memref<128x48xf32, #tpu.memory_space<vmem>>
        %dma_start3A_184 = arith.constant 0 : i32
        %dma_start3A_185 = tpu.memref_slice %arg8[%add3A_177, %dma_start3A_184] : memref<80x128xi32, #tpu.memory_space<vmem>> -> memref<1x128xi32, #tpu.memory_space<vmem>>
        %dma_start3A_186 = tpu.memref_squeeze %dma_start3A_185 : memref<1x128xi32, #tpu.memory_space<vmem>> -> memref<128xi32, #tpu.memory_space<vmem>>
        %dma_start3A_187 = arith.constant 0 : i32
        %dma_start3A_188 = arith.constant 0 : i32
        %dma_start3A_189 = tpu.memref_slice %arg10[%dma_start3A_187, %dma_start3A_188] : memref<10240x48xf32, #tpu.memory_space<vmem_shared>> -> memref<10240x48xf32, #tpu.memory_space<vmem_shared>>
        tpu.enqueue_indirect_dma source(%dma_start3A_183 : memref<128x48xf32, #tpu.memory_space<vmem>>) target(%dma_start3A_189 : memref<10240x48xf32, #tpu.memory_space<vmem_shared>>) offsets(%dma_start3A_186 : memref<128xi32, #tpu.memory_space<vmem>>) semaphore(%run_scoped3A_179 : memref<!tpu.dma_semaphore, #tpu.memory_space<semaphore_mem>>) {add = true}
        %dma_wait3A_190 = arith.constant 0 : i32
        %dma_wait3A_191 = arith.constant 0 : i32
        %dma_wait3A_192 = tpu.memref_slice %arg9[%run_scoped3A_178, %dma_wait3A_190, %dma_wait3A_191] : memref<2x128x48xf32, #tpu.memory_space<vmem>> -> memref<1x128x48xf32, #tpu.memory_space<vmem>>
        %dma_wait3A_193 = tpu.memref_squeeze %dma_wait3A_192 : memref<1x128x48xf32, #tpu.memory_space<vmem>> -> memref<128x48xf32, #tpu.memory_space<vmem>>
        %dma_wait3A_194 = arith.constant 0 : i32
        %dma_wait3A_195 = tpu.memref_slice %arg8[%add3A_177, %dma_wait3A_194] : memref<80x128xi32, #tpu.memory_space<vmem>> -> memref<1x128xi32, #tpu.memory_space<vmem>>
        %dma_wait3A_196 = tpu.memref_squeeze %dma_wait3A_195 : memref<1x128xi32, #tpu.memory_space<vmem>> -> memref<128xi32, #tpu.memory_space<vmem>>
        %dma_wait3A_197 = arith.constant 0 : i32
        %dma_wait3A_198 = arith.constant 0 : i32
        %dma_wait3A_199 = tpu.memref_slice %arg10[%dma_wait3A_197, %dma_wait3A_198] : memref<10240x48xf32, #tpu.memory_space<vmem_shared>> -> memref<10240x48xf32, #tpu.memory_space<vmem_shared>>
        tpu.wait_indirect_dma semaphore(%run_scoped3A_179 : memref<!tpu.dma_semaphore, #tpu.memory_space<semaphore_mem>>) src(%dma_wait3A_193 : memref<128x48xf32, #tpu.memory_space<vmem>>) dst(%dma_wait3A_199 : memref<10240x48xf32, #tpu.memory_space<vmem_shared>>)
        tpu.yield
      }) : () -> ()
    }
    %scan3A_7 = arith.constant 16 : i32
    %barrier3A_8 = arith.constant 0 : index
    tpu.barrier barrier_id(%barrier3A_8)
    %delay3A = arith.constant 8192 : i32
    tpu.delay %delay3A
    %barrier3A_9 = arith.constant 0 : index
    tpu.barrier barrier_id(%barrier3A_9)
    "tpu.region"() ({
      %run_scoped3A = tpu.sem_alloc : memref<!tpu.dma_semaphore, #tpu.memory_space<semaphore_mem>>
      %dma_start3A = arith.constant 0 : i32
      %dma_start3A_10 = tpu.memref_slice %arg6[%arg0, %mul3A_2, %dma_start3A] : memref<2x10240x48xf32, #tpu.memory_space<hbm>> -> memref<1x640x48xf32, #tpu.memory_space<hbm>>
      %dma_start3A_11 = tpu.memref_squeeze %dma_start3A_10 : memref<1x640x48xf32, #tpu.memory_space<hbm>> -> memref<640x48xf32, #tpu.memory_space<hbm>>
      %dma_start3A_12 = arith.constant 0 : i32
      %dma_start3A_13 = tpu.memref_slice %arg10[%mul3A_2, %dma_start3A_12] : memref<10240x48xf32, #tpu.memory_space<vmem_shared>> -> memref<640x48xf32, #tpu.memory_space<vmem_shared>>
      tpu.enqueue_dma source(%dma_start3A_13 : memref<640x48xf32, #tpu.memory_space<vmem_shared>>) target(%dma_start3A_11 : memref<640x48xf32, #tpu.memory_space<hbm>>) target_semaphore(%run_scoped3A : memref<!tpu.dma_semaphore, #tpu.memory_space<semaphore_mem>>)
      %dma_wait3A = arith.constant 0 : i32
      %dma_wait3A_14 = tpu.memref_slice %arg6[%arg0, %mul3A_2, %dma_wait3A] : memref<2x10240x48xf32, #tpu.memory_space<hbm>> -> memref<1x640x48xf32, #tpu.memory_space<hbm>>
      %dma_wait3A_15 = tpu.memref_squeeze %dma_wait3A_14 : memref<1x640x48xf32, #tpu.memory_space<hbm>> -> memref<640x48xf32, #tpu.memory_space<hbm>>
      %dma_wait3A_16 = arith.constant 0 : i32
      %dma_wait3A_17 = tpu.memref_slice %arg10[%mul3A_2, %dma_wait3A_16] : memref<10240x48xf32, #tpu.memory_space<vmem_shared>> -> memref<640x48xf32, #tpu.memory_space<vmem_shared>>
      tpu.wait_dma2 semaphore(%run_scoped3A : memref<!tpu.dma_semaphore, #tpu.memory_space<semaphore_mem>>) src(%dma_wait3A_17 : memref<640x48xf32, #tpu.memory_space<vmem_shared>>) dst(%dma_wait3A_15 : memref<640x48xf32, #tpu.memory_space<hbm>>)
      tpu.yield
    }) : () -> ()
    return
  }
}

module attributes {stable_mosaic.version = 14 : i64} {
  func.func @_fold_body(%arg0: memref<2x10240x8xf32, #tpu.memory_space<vmem>>, %arg1: memref<10240x128xf32, #tpu.memory_space<vmem>>, %arg2: memref<128x48xf32, #tpu.memory_space<vmem>>, %arg3: memref<10240x48xf32, #tpu.memory_space<vmem>>, %arg4: memref<10240x48xf32, #tpu.memory_space<vmem>>, %arg5: memref<10240x48xf32, #tpu.memory_space<vmem>>) attributes {dimension_semantics = [], scalar_prefetch = 0 : i64, scratch_operands = 0 : i64, tpu.core_type = #tpu.core_type<tc>} {
    %get3A = arith.constant 0 : index
    %get3A_0 = arith.constant 0 : index
    %get3A_1 = arith.constant 0 : index
    %get3A_2 = vector.load %arg0[%get3A, %get3A_0, %get3A_1] : memref<2x10240x8xf32, #tpu.memory_space<vmem>>, vector<1x10240x1xf32>
    %get3A_3 = vector.shape_cast %get3A_2 : vector<1x10240x1xf32> to vector<10240x1xf32>
    %get3A_4 = arith.constant 1 : index
    %get3A_5 = arith.constant 0 : index
    %get3A_6 = arith.constant 0 : index
    %get3A_7 = vector.load %arg0[%get3A_4, %get3A_5, %get3A_6] : memref<2x10240x8xf32, #tpu.memory_space<vmem>>, vector<1x10240x1xf32>
    %get3A_8 = vector.shape_cast %get3A_7 : vector<1x10240x1xf32> to vector<10240x1xf32>
    %add3A = arith.addf %get3A_3, %get3A_8 : vector<10240x1xf32>
    %add3A_9 = arith.constant 1.000000e+00 : f32
    %add3A_10 = vector.broadcast %add3A_9 : f32 to vector<10240x1xf32>
    %add3A_11 = arith.addf %add3A, %add3A_10 : vector<10240x1xf32>
    %rsqrt3A = math.rsqrt %add3A_11 : vector<10240x1xf32>
    %div3A = arith.constant 1.000000e+00 : f32
    %div3A_12 = vector.broadcast %div3A : f32 to vector<10240x1xf32>
    %div3A_13 = arith.divf %div3A_12, %add3A_11 : vector<10240x1xf32>
    %broadcast_in_dim3A = vector.shape_cast %rsqrt3A : vector<10240x1xf32> to vector<10240x1xf32>
    %broadcast_in_dim3A_14 = vector.broadcast %broadcast_in_dim3A : vector<10240x1xf32> to vector<10240x48xf32>
    %swap3A = arith.constant 0 : index
    %swap3A_15 = arith.constant 0 : index
    %swap3A_16 = vector.load %arg4[%swap3A, %swap3A_15] : memref<10240x48xf32, #tpu.memory_space<vmem>>, vector<10240x48xf32>
    tpu.vector_store %arg4[%swap3A, %swap3A_15], %broadcast_in_dim3A_14 {strides = array<i32>} : memref<10240x48xf32, #tpu.memory_space<vmem>>, vector<10240x48xf32>,
    %broadcast_in_dim3A_17 = vector.shape_cast %div3A_13 : vector<10240x1xf32> to vector<10240x1xf32>
    %broadcast_in_dim3A_18 = vector.broadcast %broadcast_in_dim3A_17 : vector<10240x1xf32> to vector<10240x48xf32>
    %swap3A_19 = arith.constant 0 : index
    %swap3A_20 = arith.constant 0 : index
    %swap3A_21 = vector.load %arg5[%swap3A_19, %swap3A_20] : memref<10240x48xf32, #tpu.memory_space<vmem>>, vector<10240x48xf32>
    tpu.vector_store %arg5[%swap3A_19, %swap3A_20], %broadcast_in_dim3A_18 {strides = array<i32>} : memref<10240x48xf32, #tpu.memory_space<vmem>>, vector<10240x48xf32>,
    %get3A_22 = arith.constant 0 : index
    %get3A_23 = arith.constant 0 : index
    %get3A_24 = vector.load %arg1[%get3A_22, %get3A_23] : memref<10240x128xf32, #tpu.memory_space<vmem>>, vector<10240x128xf32>
    %get3A_25 = arith.constant 0 : index
    %get3A_26 = arith.constant 0 : index
    %get3A_27 = vector.load %arg2[%get3A_25, %get3A_26] : memref<128x48xf32, #tpu.memory_space<vmem>>, vector<128x48xf32>
    %dot_general3A = arith.constant dense<0.000000e+00> : vector<10240x48xf32>
    %dot_general3A_28 = tpu.matmul %get3A_24, %get3A_27, %dot_general3A {dimension_numbers = #tpu.dot_dimension_numbers<[1], [0], [0], [1], [0, 0, 1, 1], [], []>, transpose_lhs_hint = false} : vector<10240x128xf32>, vector<128x48xf32>, vector<10240x48xf32> -> vector<10240x48xf32>
    %mul3A = vector.broadcast %rsqrt3A : vector<10240x1xf32> to vector<10240x48xf32>
    %mul3A_29 = arith.mulf %mul3A, %dot_general3A_28 : vector<10240x48xf32>
    %swap3A_30 = arith.constant 0 : index
    %swap3A_31 = arith.constant 0 : index
    %swap3A_32 = vector.load %arg3[%swap3A_30, %swap3A_31] : memref<10240x48xf32, #tpu.memory_space<vmem>>, vector<10240x48xf32>
    tpu.vector_store %arg3[%swap3A_30, %swap3A_31], %mul3A_29 {strides = array<i32>} : memref<10240x48xf32, #tpu.memory_space<vmem>>, vector<10240x48xf32>,
    return
  }
}

module attributes {stable_mosaic.version = 14 : i64} {
  func.func @_comb_body(%arg0: memref<2x10240x48xf32, #tpu.memory_space<vmem>>, %arg1: memref<10240x48xf32, #tpu.memory_space<vmem>>, %arg2: memref<10240x48xf32, #tpu.memory_space<vmem>>, %arg3: memref<10240x48xf32, #tpu.memory_space<vmem>>) attributes {dimension_semantics = [], scalar_prefetch = 0 : i64, scratch_operands = 0 : i64, tpu.core_type = #tpu.core_type<tc>} {
    %get3A = arith.constant 0 : index
    %get3A_0 = arith.constant 0 : index
    %get3A_1 = vector.load %arg2[%get3A, %get3A_0] : memref<10240x48xf32, #tpu.memory_space<vmem>>, vector<10240x48xf32>
    %get3A_2 = arith.constant 0 : index
    %get3A_3 = arith.constant 0 : index
    %get3A_4 = arith.constant 0 : index
    %get3A_5 = vector.load %arg0[%get3A_2, %get3A_3, %get3A_4] : memref<2x10240x48xf32, #tpu.memory_space<vmem>>, vector<1x10240x48xf32>
    %get3A_6 = vector.shape_cast %get3A_5 : vector<1x10240x48xf32> to vector<10240x48xf32>
    %get3A_7 = arith.constant 1 : index
    %get3A_8 = arith.constant 0 : index
    %get3A_9 = arith.constant 0 : index
    %get3A_10 = vector.load %arg0[%get3A_7, %get3A_8, %get3A_9] : memref<2x10240x48xf32, #tpu.memory_space<vmem>>, vector<1x10240x48xf32>
    %get3A_11 = vector.shape_cast %get3A_10 : vector<1x10240x48xf32> to vector<10240x48xf32>
    %add3A = arith.addf %get3A_6, %get3A_11 : vector<10240x48xf32>
    %get3A_12 = arith.constant 0 : index
    %get3A_13 = arith.constant 0 : index
    %get3A_14 = vector.load %arg1[%get3A_12, %get3A_13] : memref<10240x48xf32, #tpu.memory_space<vmem>>, vector<10240x48xf32>
    %add3A_15 = arith.addf %add3A, %get3A_14 : vector<10240x48xf32>
    %mul3A = arith.mulf %get3A_1, %add3A_15 : vector<10240x48xf32>
    %swap3A = arith.constant 0 : index
    %swap3A_16 = arith.constant 0 : index
    %swap3A_17 = vector.load %arg3[%swap3A, %swap3A_16] : memref<10240x48xf32, #tpu.memory_space<vmem>>, vector<10240x48xf32>
    tpu.vector_store %arg3[%swap3A, %swap3A_16], %mul3A {strides = array<i32>} : memref<10240x48xf32, #tpu.memory_space<vmem>>, vector<10240x48xf32>,
    return
  }
}

module attributes {stable_mosaic.version = 14 : i64} {
  func.func @_final_body(%arg0: memref<2x10240x48xf32, #tpu.memory_space<vmem>>, %arg1: memref<10240x48xf32, #tpu.memory_space<vmem>>, %arg2: memref<10240x48xf32, #tpu.memory_space<vmem>>, %arg3: memref<1x48xf32, #tpu.memory_space<vmem>>, %arg4: memref<10240x48xf32, #tpu.memory_space<vmem>>) attributes {dimension_semantics = [], scalar_prefetch = 0 : i64, scratch_operands = 0 : i64, tpu.core_type = #tpu.core_type<tc>} {
    %get3A = arith.constant 0 : index
    %get3A_0 = arith.constant 0 : index
    %get3A_1 = vector.load %arg2[%get3A, %get3A_0] : memref<10240x48xf32, #tpu.memory_space<vmem>>, vector<10240x48xf32>
    %get3A_2 = arith.constant 0 : index
    %get3A_3 = arith.constant 0 : index
    %get3A_4 = arith.constant 0 : index
    %get3A_5 = vector.load %arg0[%get3A_2, %get3A_3, %get3A_4] : memref<2x10240x48xf32, #tpu.memory_space<vmem>>, vector<1x10240x48xf32>
    %get3A_6 = vector.shape_cast %get3A_5 : vector<1x10240x48xf32> to vector<10240x48xf32>
    %get3A_7 = arith.constant 1 : index
    %get3A_8 = arith.constant 0 : index
    %get3A_9 = arith.constant 0 : index
    %get3A_10 = vector.load %arg0[%get3A_7, %get3A_8, %get3A_9] : memref<2x10240x48xf32, #tpu.memory_space<vmem>>, vector<1x10240x48xf32>
    %get3A_11 = vector.shape_cast %get3A_10 : vector<1x10240x48xf32> to vector<10240x48xf32>
    %add3A = arith.addf %get3A_6, %get3A_11 : vector<10240x48xf32>
    %get3A_12 = arith.constant 0 : index
    %get3A_13 = arith.constant 0 : index
    %get3A_14 = vector.load %arg1[%get3A_12, %get3A_13] : memref<10240x48xf32, #tpu.memory_space<vmem>>, vector<10240x48xf32>
    %add3A_15 = arith.addf %add3A, %get3A_14 : vector<10240x48xf32>
    %mul3A = arith.mulf %get3A_1, %add3A_15 : vector<10240x48xf32>
    %get3A_16 = arith.constant 0 : index
    %get3A_17 = arith.constant 0 : index
    %get3A_18 = vector.load %arg3[%get3A_16, %get3A_17] : memref<1x48xf32, #tpu.memory_space<vmem>>, vector<1x48xf32>
    %add3A_19 = vector.broadcast %get3A_18 : vector<1x48xf32> to vector<10240x48xf32>
    %add3A_20 = arith.addf %mul3A, %add3A_19 : vector<10240x48xf32>
    %iota3A = tpu.iota {dimensions = array<i32: 1>} : vector<10240x48xi32>
    %lt3A = arith.constant 40 : i32
    %lt3A_21 = vector.broadcast %lt3A : i32 to vector<10240x48xi32>
    %lt3A_22 = arith.cmpi slt, %iota3A, %lt3A_21 : vector<10240x48xi32>
    %jit3A = arith.constant -1.000000e+30 : f32
    %broadcast_in_dim3A = vector.broadcast %jit3A : f32 to vector<10240x48xf32>
    %select_n3A = arith.select %lt3A_22, %add3A_20, %broadcast_in_dim3A : vector<10240x48xi1>, vector<10240x48xf32>
    %reduce_max3A = arith.constant dense<0xFF800000> : vector<10240xf32>
    %reduce_max3A_23 = vector.multi_reduction <maximumf>, %select_n3A, %reduce_max3A [1] : vector<10240x48xf32> to vector<10240xf32>
    %broadcast_in_dim3A_24 = vector.shape_cast %reduce_max3A_23 : vector<10240xf32> to vector<10240x1xf32>
    %sub3A = vector.broadcast %broadcast_in_dim3A_24 : vector<10240x1xf32> to vector<10240x48xf32>
    %sub3A_25 = arith.subf %select_n3A, %sub3A : vector<10240x48xf32>
    %exp3A = math.exp %sub3A_25 : vector<10240x48xf32>
    %reduce_sum3A = arith.constant dense<0.000000e+00> : vector<10240xf32>
    %reduce_sum3A_26 = vector.multi_reduction <add>, %exp3A, %reduce_sum3A [1] : vector<10240x48xf32> to vector<10240xf32>
    %broadcast_in_dim3A_27 = vector.shape_cast %reduce_sum3A_26 : vector<10240xf32> to vector<10240x1xf32>
    %sub3A_28 = vector.broadcast %broadcast_in_dim3A_24 : vector<10240x1xf32> to vector<10240x48xf32>
    %sub3A_29 = arith.subf %select_n3A, %sub3A_28 : vector<10240x48xf32>
    %log3A = math.log %broadcast_in_dim3A_27 : vector<10240x1xf32>
    %sub3A_30 = vector.broadcast %log3A : vector<10240x1xf32> to vector<10240x48xf32>
    %sub3A_31 = arith.subf %sub3A_29, %sub3A_30 : vector<10240x48xf32>
    %swap3A = arith.constant 0 : index
    %swap3A_32 = arith.constant 0 : index
    %swap3A_33 = vector.load %arg4[%swap3A, %swap3A_32] : memref<10240x48xf32, #tpu.memory_space<vmem>>, vector<10240x48xf32>
    tpu.vector_store %arg4[%swap3A, %swap3A_32], %sub3A_31 {strides = array<i32>} : memref<10240x48xf32, #tpu.memory_space<vmem>>, vector<10240x48xf32>,
    return
  }
}

</mosaic_0001>

<sc_bundles>
// kernel: kernel.11.cloned.1.call-start
scs
__scs_entry_jumppad:
0x0: {  	(pc) =	sbr.rel $0x88, $3  }
0x1: {  	(tag) =	ssettag $0x0;
	lr =	simm.s32 $0x1  }
0x2: {  	[smem:$0x3F9D] =	sst lr;
	_ =	strace $0xD0000000  }
0x3: {  	_ = 	snop  }
0x4: {  	_ = 	snop  }
0x5: {  	_ = 	snop  }
0x6: {  	_ = 	snop  }
0x7: {  	_ = 	snop  }
__scs_overlays_trampoline_lowered:
0x8: {  	[smem:$0x3FAC] =	sst s0  }
0x9: {  	[smem:$0x3FAD] =	sst s1  }
0xa: {  	[smem:$0x3FAE] =	sst s2  }
0xb: {  	[smem:$0x3FAF] =	sst s3  }
0xc: {  	[smem:$0x3FB0] =	sst s4  }
0xd: {  	[smem:$0x3FB1] =	sst s5  }
0xe: {  	[smem:$0x3FB2] =	sst s6  }
0xf: {  	[smem:$0x3FB3] =	sst s7  }
0x10: {  	[smem:$0x3FB4] =	sst s8  }
0x11: {  	[smem:$0x3FB5] =	sst s9;
	s0 =	simm.s32 @!p0 $0x0  }
0x12: {  	s1 =	sld [smem:$0x3F9B];
	s0 =	simm.s32 @p0 $0x1  }
0x13: {  	[smem:$0x3FB6] =	sst s0;
	s0 =	simm.s32 @!p1 $0x0  }
0x14: {  	s2 =	sld [smem:$0x3F9A];
	s0 =	simm.s32 @p1 $0x1  }
0x15: {  	[smem:$0x3FB7] =	sst s0;
	s0 =	simm.s32 @!p2 $0x0  }
0x16: {  	s3 =	sld [smem:$0x3FDB];
	s0 =	simm.s32 @p2 $0x1  }
0x17: {  	s4 =	simm.s32 $0x1BF5;
	[smem:$0x3FB9] =	sst s0  }
0x18: {  	s0 =	sld [smem:$0x3F9C];
	_ =	swait.ge [sflag:s4], $0x0  }
0x19: {  	s7 =	sld [smem:$0x3F9D]  }
0x1a: {  	s8 =	sadd.s32 $0xFFFFE003, lr  }
0x1b: {  	s9 =	sadd.s32 $0xFFFFFEF7, lr;
	s5 =	simm.s32 $0xFFFFFFFF;
	p2 =	slt.u32 s8, $0xFFFFF086  }
0x1c: {  	p1 =	slt.u32 s9, $0xF7A;
	s5 =	simm.s32 @!p2 $0x0  }
0x1d: {  	s5 =	simm.s32 @p1 $0x1;
	p0 =	seq.s32 s7, s2  }
0x1e: {  	s7 =	smul.u32 @!p0 $0xF7A, s2;
	p2 =	seq.s32 @!p0 s5, $0x0  }
0x1f: {  	s9 =	smul.u32 $0xF7A, s1;
	s8 =	simm.s32 @!p0 $0x1BF5;
	p2 =	por !p2, p0  }
0x20: {  	[sflag:s8] =	ssyncset.s32 @!p0 $0xFFFFF086;
	s6 =	sadd.s32 @!p0 s3, s7;
	s7 =	simm.s32 @!p0 $0x108  }
0x21: {  	s3 =	sadd.s32 s3, s9;
	s6 =	sadd.s32 @!p0 $0x88, s6;
	s7 =	simm.s32 @p2 $0x1082  }
0x22: {  	[simem:s7], [sflag:s8] =	dma.local @!p0 [hbm:s6], $0xF7A  }
0x23: {  	s9 =	sor.u32 $0xD0000000, s2;
	s6 =	simm.s32 $0x108;
	_ =	swait.ge @!p0 [sflag:s8], $0x0  }
0x24: {  	s3 =	sadd.s32 $0x88, s3;
	s6 =	simm.s32 @!p1 $0x1082;
	[sflag:s4] =	ssyncset.s32 $0xFFFFF086  }
0x25: {  	[simem:s6], [sflag:s4] =	dma.local [hbm:s3], $0xF7A  }
0x26: {  	[smem:$0x3F9D] =	sst s1;
	(tag) =	ssettag s2;
	_ =	strace s9  }
0x27: {  	s1 =	sld [smem:$0x3FAD]  }
0x28: {  	s2 =	sld [smem:$0x3FAE]  }
0x29: {  	s4 =	sld [smem:$0x3FB0]  }
0x2a: {  	p0 =	seq.s32 s5, $0x0;
	s5 =	sld [smem:$0x3FB1]  }
0x2b: {  	s6 =	sld [smem:$0x3FB2]  }
0x2c: {  	s7 =	sld [smem:$0x3FB3]  }
0x2d: {  	s3 =	simm.s32 $0x108;
	s8 =	sld [smem:$0x3FB4]  }
0x2e: {  	s3 =	simm.s32 @!p0 $0x1082;
	s9 =	sld [smem:$0x3FB5]  }
0x2f: {  	lr =	sadd.s32 s0, s3;
	s0 =	sld [smem:$0x3FAC]  }
0x30: {  	s3 =	sld [smem:$0x3FAF]  }
0x31: {  	[smem:$0x3FB8] =	sst s10  }
0x32: {  	s10 =	sld [smem:$0x3FB6];
	_ =	sdelay $0x3  }
0x33: {  	p0 =	seq.s32 s10, $0x1;
	s10 =	sld [smem:$0x3FB8];
	_ =	sdelay $0x3  }
0x34: {  	[smem:$0x3FB8] =	sst s10  }
0x35: {  	s10 =	sld [smem:$0x3FB7];
	_ =	sdelay $0x3  }
0x36: {  	p1 =	seq.s32 s10, $0x1;
	s10 =	sld [smem:$0x3FB8];
	_ =	sdelay $0x3  }
0x37: {  	[smem:$0x3FB8] =	sst s10  }
0x38: {  	s10 =	sld [smem:$0x3FB9]  }
0x39: {  	_ = 	snop;
	(pc) =	sbr.ind lr, $3  }
0x3a: {  	_ = 	snop  }
0x3b: {  	_ = 	snop  }
0x3c: {  	p2 =	seq.s32 s10, $0x1;
	s10 =	sld [smem:$0x3FB8]  }
0x3d: {  	_ =	shalt  }
0x3e: {  	_ =	shalt  }
0x3f: {  	_ =	shalt  }
0x40: {  	_ =	shalt  }
0x41: {  	_ =	shalt  }
0x42: {  	_ =	shalt  }
0x43: {  	_ =	shalt  }
0x44: {  	_ =	shalt  }
0x45: {  	_ =	shalt  }
0x46: {  	_ =	shalt  }
0x47: {  	_ =	shalt  }
0x48: {  	_ =	shalt  }
0x49: {  	_ =	shalt  }
0x4a: {  	_ =	shalt  }
0x4b: {  	_ =	shalt  }
0x4c: {  	_ =	shalt  }
0x4d: {  	_ =	shalt  }
0x4e: {  	_ =	shalt  }
0x4f: {  	_ =	shalt  }
0x50: {  	_ =	shalt  }
0x51: {  	_ =	shalt  }
0x52: {  	_ =	shalt  }
0x53: {  	_ =	shalt  }
0x54: {  	_ =	shalt  }
0x55: {  	_ =	shalt  }
0x56: {  	_ =	shalt  }
0x57: {  	_ =	shalt  }
0x58: {  	_ =	shalt  }
0x59: {  	_ =	shalt  }
0x5a: {  	_ =	shalt  }
0x5b: {  	_ =	shalt  }
0x5c: {  	_ =	shalt  }
0x5d: {  	_ =	shalt  }
0x5e: {  	_ =	shalt  }
0x5f: {  	_ =	shalt  }
0x60: {  	_ =	shalt  }
0x61: {  	_ =	shalt  }
0x62: {  	_ =	shalt  }
0x63: {  	_ =	shalt  }
0x64: {  	_ =	shalt  }
0x65: {  	_ =	shalt  }
0x66: {  	_ =	shalt  }
0x67: {  	_ =	shalt  }
0x68: {  	_ =	shalt  }
0x69: {  	_ =	shalt  }
0x6a: {  	_ =	shalt  }
0x6b: {  	_ =	shalt  }
0x6c: {  	_ =	shalt  }
0x6d: {  	_ =	shalt  }
0x6e: {  	_ =	shalt  }
0x6f: {  	_ =	shalt  }
0x70: {  	_ =	shalt  }
0x71: {  	_ =	shalt  }
0x72: {  	_ =	shalt  }
0x73: {  	_ =	shalt  }
0x74: {  	_ =	shalt  }
0x75: {  	_ =	shalt  }
0x76: {  	_ =	shalt  }
0x77: {  	_ =	shalt  }
0x78: {  	_ =	shalt  }
0x79: {  	_ =	shalt  }
0x7a: {  	_ =	shalt  }
0x7b: {  	_ =	shalt  }
0x7c: {  	_ =	shalt  }
0x7d: {  	_ =	shalt  }
0x7e: {  	_ =	shalt  }
0x7f: {  	_ =	shalt  }
0x80: {  	_ =	shalt  }
0x81: {  	_ =	shalt  }
0x82: {  	_ =	shalt  }
0x83: {  	_ =	shalt  }
0x84: {  	_ =	shalt  }
0x85: {  	_ =	shalt  }
0x86: {  	_ =	shalt  }
0x87: {  	_ =	shalt  }
.Lfunc_end0:
.L_simem_size_0:
called_computation.1_lowered:
.L_overlay_start_0:
0x88: {  	s2 =	sld [smem:$0x3FD9]  }
0x89: {  	s3 =	sld [smem:$0x3FFE];
	_ =	sdelay $0x1  }
0x8a: {  	s1 =	srdreg.scid  }
0x8b: {  	s0 =	sand.u32 $0x1, s1  }
0x8c: {  	s17 =	sshll.u32 s0, $0xA;
	s2 =	sadd.s32 s3, s2  }
0x8d: {  	s2 =	sadd.s32 s2, s17  }
0x8e: {  	[smem:$0x3FC4] =	sst s2  }
0x8f: {  	_ = 	snop  }
0x90: {  	s2 =	sld [smem:$0x3FD0];
	(tm) =	ssettm $0x1  }
0x91: {  	s18 =	sld [smem:$0x3FFB];
	_ =	sdelay $0x3  }
0x92: {  	_ =	strace s18  }
0x93: {  	s3 =	sld [smem:$0x3FFC];
	_ =	sdelay $0x3  }
0x94: {  	_ =	strace s3  }
0x95: {  	s3 =	sld [smem:$0x3FFD];
	_ =	sdelay $0x3  }
0x96: {  	_ =	strace s3  }
0x97: {  	_ =	strace $0x8FFFFFFF  }
0x98: {  	s19 =	sld [smem:$0x3FDB];
	_ =	sdelay $0x1  }
0x99: {  	s4 =	simm.s32 $_scs_section_size  }
0x9a: {  	s5 =	simm.s32 $_size__tile_overlayer_lowered;
	s6 =	simm.s32 $_tile_overlayer_lowered  }
0x9b: {  	s22 =	simm.s32 $0x1BFF;
	s21 =	sshll.u32 s6, $0x1;
	s3 =	sadd.s32 s4, s19  }
0x9c: {  	s7 =	simm.s32 $0x0;
	s20 =	sshll.u32 s5, $0x1;
	s5 =	sadd.s32 s21, s3  }
0x9d: {  	[timem:s7], [sflag:s22] =	dma.local [hbm:s5], s20  }
0x9e: {  	_ =	swait.ge [sflag:s22], s20  }
0x9f: {  	s4 =	ssub.s32 $0x0, s20;
	[sflag:s22] =	ssyncset.done $0x0  }
0xa0: {  	[sflag:s22] =	ssyncadd.s32 s4;
	_ =	sdelay $0x1  }
0xa1: {  	s23 =	simm.s32 $0x1B8B  }
0xa2: {  	_ =	swait.ge [sflag:s23], $0x1  }
0xa3: {  	[sflag:s23] =	ssyncset.done $0x0  }
0xa4: {  	s25 =	simm.s32 $0x1B8E;
	s24 =	sld [smem:$0x3FFE];
	[sflag:s23] =	ssyncadd.s32 $0xFFFFFFFF  }
0xa5: {  	s26 =	simm.s32 $execute0_lowered;
	[smem:$0x3FD2] =	sst s25  }
0xa6: {  	s5 =	sshll.u32 s26, $0x1;
	_ =	strace $0x80000049;
	[dreg:$0x1] =	wrdreg $0xFFFFFFFF  }
0xa7: {  	s28 =	simm.s32 $_size_execute0_lowered;
	s3 =	sadd.s32 s3, s5;
	[dreg:$0x0] =	wrdreg $0x0  }
0xa8: {  	s5 =	sshll.u32 s28, $0x1;
	[dreg:$0x2] =	wrdreg s3  }
0xa9: {  	[dreg:$0x3] =	wrdreg s5  }
0xaa: {  	[dreg:$0x4] =	wrdreg $0xC0  }
0xab: {  	_ =	task [dreg:s7], $0x5FFFF  }
0xac: {  	[dreg:$0x1] =	wrdreg $0xFFFFFFFF  }
0xad: {  	[dreg:$0x0] =	wrdreg $0x60  }
0xae: {  	[dreg:$0x2] =	wrdreg s24  }
0xaf: {  	[dreg:$0x3] =	wrdreg s2  }
0xb0: {  	[dreg:$0x4] =	wrdreg $0x80000  }
0xb1: {  	[dreg:$0x5] =	wrdreg $0x9  }
0xb2: {  	_ =	task.clear_ibuf [dreg:s7], $0x6FFFF;
	_ =	strace $0x90000049  }
0xb3: {  	s29 =	simm.s32 $0x9;
	_ =	strace $0x8000004B  }
0xb4: {  	_ =	swait.ge [sflag:s29], $0x1  }
0xb5: {  	[sflag:s29] =	ssyncadd.s32 $0xFFFFFFFF  }
0xb6: {  	_ =	strace $0x9000004B  }
0xb7: {  	_ =	sfence  }
0xb8: {  	s30 =	sld [smem:$0x0];
	_ =	sdelay $0x2  }
0xb9: {  	s31 =	sshll.u32 s1, $0xD;
	s1 =	sshrl.u32 s1, $0x2  }
0xba: {  	s3 =	sand.u32 $0x4000, s31;
	s1 =	sadd.s32 s1, s30  }
0xbb: {  	s0 =	sor.u32 s3, s0;
	s1 =	sshll.u32 s1, $0x11  }
0xbc: {  	s0 =	sor.u32 s1, s0  }
0xbd: {  	s0 =	sadd.s32 $0x8F2B, s0  }
0xbe: {  	[sflag:s0] =	ssyncadd.remote.s32 $0x1  }
0xbf: {  	_ =	sfence.sel $0xFFFF  }
0xc0: {  	[dreg:$0x0] =	wrdreg $0xFFFFFFFF;
	(pc) =	sbr.abs _section_cstart, $3  }
0xc1: {  	[dreg:$0x1] =	wrdreg $0xFFFFFFFF  }
0xc2: {  	_ =	task.clear_ibuf [dreg:s7], $0x2FFFF;
	_ =	strace $0x9FFFFFFF  }
0xc3: {  	(tm) =	ssettm $0x7FFFFFFF  }
tec
execute0_lowered:
.L_overlay_start_1:
0x0: {  	(tag) =	ssettag $0x1  }
0x1: {  	s6 =	rddreg [dreg:$0x0]  }
0x2: {  	s0 =	srdreg.scid;
	s8 =	rddreg [dreg:$0x1]  }
0x3: {  	s2 =	rddreg [dreg:$0x2];
	s3 =	simm.s32 $0x0;
	s15 =	simm.s32 $0x5000  }
0x4: {  	s16 =	simm.s32 $0x6800;
	s17 =	simm.s32 $0x1;
	s18 =	simm.s32 $0x2  }
0x5: {  	s19 =	simm.s32 $0x0;
	s5 =	sand.u32 $0x1, s0;
	s0 =	stileid.u32  }
0x6: {  	[smem:$0x7FF] =	sst s3;
	s4 =	sadd.s32 $0x12800, s6;
	s7 =	smul.u32 $0x7800, s0  }
0x7: {  	s1 =	sshll.u32 s5, $0x4;
	s10 =	smul.u32 $0x78000, s5;
	s5 =	ssub.s32 $0x2, s5  }
0x8: {  	s31 =	sshll.u32 s0, $0x6;
	s1 =	sor.u32 s0, s1;
	s30 =	sshrl.u32 s5, $0x1  }
0x9: {  	s9 =	smul.u32 $0x500, s1;
	s1 =	rddreg [dreg:$0x3];
	_ =	strace $0x8000004A  }
0xa: {  	s10 =	sadd.s32 s7, s10;
	s12 =	sshrl.u32 s7, $0x3;
	s13 =	ssub.s32 s5, s30  }
0xb: {  	s14 =	sadd.s32 s7, s2;
	s10 =	sshrl.u32 s10, $0x3;
	s12 =	sadd.s32 s12, s6  }
0xc: {  	s11 =	sadd.s32 s9, s6;
	s10 =	sadd.s32 s10, s6;
	s5 =	sadd.s32 $0x21800, s12  }
0xd: {  	s6 =	sor.u32 $0x1C03, s31;
	s8 =	sadd.s32 s8, s9;
	s12 =	simm.s32 $0x3  }
0xe: {  	s7 =	sadd.s32 $0x8800, s11;
	s9 =	sadd.s32 $0x30800, s10;
	s10 =	smax.u32 s13, $0x1  }
0xf: {  	s11 =	sshrl.u32 s14, $0x3;
	s13 =	simm.s32 $0x2800;
	s14 =	simm.s32 $0x80  }
.LBB2_1:
0x10: {  	[spmem:s11], [sflag:s6] =	dma.local [hbm:s5], $0xF00  }
0x11: {  	_ =	swait.ge [sflag:s12], $0xF00  }
0x12: {  	[sflag:s12] =	ssyncset.done $0x0  }
0x13: {  	[sflag:s12] =	ssyncadd.s32 $0xFFFFF100  }
0x14: {  	[tilespmem:s3], [sflag:$0x3] =	stream.linear.gather [hbm4b:s7+s3], $0x2800, $0x38;
	[tilespmem:$0xF800] =	vst v63  }
0x15: {  	_ =	swait.ge [sflag:s12], $0x2800  }
0x16: {  	[sflag:s12] =	ssyncset.done $0x0  }
0x17: {  	[sflag:s12] =	ssyncadd.s32 $0xFFFFD800  }
0x18: {  	[tilespmem:s13], [sflag:$0x3] =	stream.linear.gather [hbm4b:s8+s3], $0x2800, $0x38;
	[tilespmem:$0xF800] =	vst v63  }
0x19: {  	_ =	swait.ge [sflag:s12], $0x2800  }
0x1a: {  	[sflag:s12] =	ssyncset.done $0x0  }
0x1b: {  	[sflag:s12] =	ssyncadd.s32 $0xFFFFD800  }
0x1c: {  	s20 =	simm.s32 $0x0;
	[bflag:$0x0] =	sbarrier.arrive $0xFFFF  }
0x1d: {  	[tilespmem:s15], [sflag:$0x1] =	stream.indirect.gather [hbm4b:s4+s14], $0x30, s20, s14, $0xb8;
	[tilespmem:$0xF800] =	vst v63  }
0x1e: {  	s22 =	simm.s32 $0x80  }
0x1f: {  	[tilespmem:s16], [sflag:$0x2] =	stream.indirect.gather [hbm4b:s4+s14], $0x30, s22, s14, $0xb8;
	[tilespmem:$0xF800] =	vst v63  }
0x20: {  	_ =	swait.ge [sflag:s17], $0x1800  }
0x21: {  	[sflag:s17] =	ssyncset.done $0x0  }
0x22: {  	s23 =	simm.s32 $0x2800;
	[sflag:s17] =	ssyncadd.s32 $0xFFFFE800  }
0x23: {  	[spmem:s2] =	stream.indirect.scatter.add.f32 [tilespmem:s15], [sflag:$0x3], $0x30, s23, s14, $0xb8;
	[tilespmem:$0xF800] =	vst v63  }
0x24: {  	_ =	swait.ge [sflag:s12], $0x1800  }
0x25: {  	[sflag:s12] =	ssyncset.done $0x0  }
0x26: {  	s24 =	simm.s32 $0x100;
	[sflag:s12] =	ssyncadd.s32 $0xFFFFE800  }
0x27: {  	[tilespmem:s15], [sflag:$0x1] =	stream.indirect.gather [hbm4b:s4+s14], $0x30, s24, s14, $0xb8;
	[tilespmem:$0xF800] =	vst v63  }
0x28: {  	_ =	swait.ge [sflag:s18], $0x1800  }
0x29: {  	[sflag:s18] =	ssyncset.done $0x0  }
0x2a: {  	s25 =	simm.s32 $0x2880;
	[sflag:s18] =	ssyncadd.s32 $0xFFFFE800  }
0x2b: {  	[spmem:s2] =	stream.indirect.scatter.add.f32 [tilespmem:s16], [sflag:$0x3], $0x30, s25, s14, $0xb8;
	[tilespmem:$0xF800] =	vst v63  }
0x2c: {  	_ =	swait.ge [sflag:s12], $0x1800  }
0x2d: {  	[sflag:s12] =	ssyncset.done $0x0  }
0x2e: {  	s26 =	simm.s32 $0x180;
	[sflag:s12] =	ssyncadd.s32 $0xFFFFE800  }
0x2f: {  	[tilespmem:s16], [sflag:$0x2] =	stream.indirect.gather [hbm4b:s4+s14], $0x30, s26, s14, $0xb8;
	[tilespmem:$0xF800] =	vst v63  }
0x30: {  	_ =	swait.ge [sflag:s17], $0x1800  }
0x31: {  	[sflag:s17] =	ssyncset.done $0x0  }
0x32: {  	s28 =	simm.s32 $0x2900;
	[sflag:s17] =	ssyncadd.s32 $0xFFFFE800  }
0x33: {  	[spmem:s2] =	stream.indirect.scatter.add.f32 [tilespmem:s15], [sflag:$0x3], $0x30, s28, s14, $0xb8;
	[tilespmem:$0xF800] =	vst v63  }
0x34: {  	_ =	swait.ge [sflag:s12], $0x1800  }
0x35: {  	[sflag:s12] =	ssyncset.done $0x0  }
0x36: {  	s29 =	simm.s32 $0x200;
	[sflag:s12] =	ssyncadd.s32 $0xFFFFE800  }
0x37: {  	[tilespmem:s15], [sflag:$0x1] =	stream.indirect.gather [hbm4b:s4+s14], $0x30, s29, s14, $0xb8;
	[tilespmem:$0xF800] =	vst v63  }
0x38: {  	_ =	swait.ge [sflag:s18], $0x1800  }
0x39: {  	[sflag:s18] =	ssyncset.done $0x0  }
0x3a: {  	s30 =	simm.s32 $0x2980;
	[sflag:s18] =	ssyncadd.s32 $0xFFFFE800  }
0x3b: {  	[spmem:s2] =	stream.indirect.scatter.add.f32 [tilespmem:s16], [sflag:$0x3], $0x30, s30, s14, $0xb8;
	[tilespmem:$0xF800] =	vst v63  }
0x3c: {  	_ =	swait.ge [sflag:s12], $0x1800  }
0x3d: {  	[sflag:s12] =	ssyncset.done $0x0  }
0x3e: {  	[sflag:s12] =	ssyncadd.s32 $0xFFFFE800  }
0x3f: {  	_ =	swait.ge [sflag:s17], $0x1800  }
0x40: {  	[sflag:s17] =	ssyncset.done $0x0  }
0x41: {  	s31 =	simm.s32 $0x2A00;
	[sflag:s17] =	ssyncadd.s32 $0xFFFFE800  }
0x42: {  	[spmem:s2] =	stream.indirect.scatter.add.f32 [tilespmem:s15], [sflag:$0x3], $0x30, s31, s14, $0xb8;
	[tilespmem:$0xF800] =	vst v63  }
0x43: {  	_ =	swait.ge [sflag:s12], $0x1800  }
0x44: {  	s20 =	simm.s32 $0xA00;
	s23 =	simm.s32 $0x1400;
	[sflag:s12] =	ssyncset.done $0x0  }
.LBB2_2:
0x45: {  	s22 =	sshra.s32 s20, $0x2  }
0x46: {  	[sflag:s12] =	ssyncadd.s32 $0xFFFFE800;
	s20 =	smov.u32 s23;
	s21 =	sadd.s32 $0xA00, s23  }
0x47: {  	[tilespmem:s15], [sflag:$0x1] =	stream.indirect.gather [hbm4b:s4+s14], $0x30, s22, s14, $0xb8;
	[tilespmem:$0xF800] =	vst v63  }
0x48: {  	p0 =	sne.s32 s23, $0x9600;
	s23 =	sadd.s32 $0x80, s22  }
0x49: {  	[tilespmem:s16], [sflag:$0x2] =	stream.indirect.gather [hbm4b:s4+s14], $0x30, s23, s14, $0xb8;
	[tilespmem:$0xF800] =	vst v63  }
0x4a: {  	_ =	swait.ge [sflag:s17], $0x1800  }
0x4b: {  	[sflag:s17] =	ssyncset.done $0x0  }
0x4c: {  	s23 =	sadd.s32 $0x2800, s22;
	[sflag:s17] =	ssyncadd.s32 $0xFFFFE800  }
0x4d: {  	[spmem:s2] =	stream.indirect.scatter.add.f32 [tilespmem:s15], [sflag:$0x3], $0x30, s23, s14, $0xb8;
	[tilespmem:$0xF800] =	vst v63  }
0x4e: {  	_ =	swait.ge [sflag:s12], $0x1800  }
0x4f: {  	[sflag:s12] =	ssyncset.done $0x0  }
0x50: {  	s23 =	sadd.s32 $0x100, s22;
	[sflag:s12] =	ssyncadd.s32 $0xFFFFE800  }
0x51: {  	[tilespmem:s15], [sflag:$0x1] =	stream.indirect.gather [hbm4b:s4+s14], $0x30, s23, s14, $0xb8;
	[tilespmem:$0xF800] =	vst v63  }
0x52: {  	_ =	swait.ge [sflag:s18], $0x1800  }
0x53: {  	[sflag:s18] =	ssyncset.done $0x0  }
0x54: {  	s23 =	sadd.s32 $0x2880, s22;
	[sflag:s18] =	ssyncadd.s32 $0xFFFFE800  }
0x55: {  	[spmem:s2] =	stream.indirect.scatter.add.f32 [tilespmem:s16], [sflag:$0x3], $0x30, s23, s14, $0xb8;
	[tilespmem:$0xF800] =	vst v63  }
0x56: {  	_ =	swait.ge [sflag:s12], $0x1800  }
0x57: {  	[sflag:s12] =	ssyncset.done $0x0  }
0x58: {  	s23 =	sadd.s32 $0x180, s22;
	[sflag:s12] =	ssyncadd.s32 $0xFFFFE800  }
0x59: {  	[tilespmem:s16], [sflag:$0x2] =	stream.indirect.gather [hbm4b:s4+s14], $0x30, s23, s14, $0xb8;
	[tilespmem:$0xF800] =	vst v63  }
0x5a: {  	_ =	swait.ge [sflag:s17], $0x1800  }
0x5b: {  	[sflag:s17] =	ssyncset.done $0x0  }
0x5c: {  	s23 =	sadd.s32 $0x2900, s22;
	[sflag:s17] =	ssyncadd.s32 $0xFFFFE800  }
0x5d: {  	[spmem:s2] =	stream.indirect.scatter.add.f32 [tilespmem:s15], [sflag:$0x3], $0x30, s23, s14, $0xb8;
	[tilespmem:$0xF800] =	vst v63  }
0x5e: {  	_ =	swait.ge [sflag:s12], $0x1800  }
0x5f: {  	[sflag:s12] =	ssyncset.done $0x0  }
0x60: {  	s23 =	sadd.s32 $0x200, s22;
	[sflag:s12] =	ssyncadd.s32 $0xFFFFE800  }
0x61: {  	[tilespmem:s15], [sflag:$0x1] =	stream.indirect.gather [hbm4b:s4+s14], $0x30, s23, s14, $0xb8;
	[tilespmem:$0xF800] =	vst v63  }
0x62: {  	_ =	swait.ge [sflag:s18], $0x1800  }
0x63: {  	[sflag:s18] =	ssyncset.done $0x0  }
0x64: {  	s23 =	sadd.s32 $0x2980, s22;
	[sflag:s18] =	ssyncadd.s32 $0xFFFFE800  }
0x65: {  	[spmem:s2] =	stream.indirect.scatter.add.f32 [tilespmem:s16], [sflag:$0x3], $0x30, s23, s14, $0xb8;
	[tilespmem:$0xF800] =	vst v63  }
0x66: {  	_ =	swait.ge [sflag:s12], $0x1800  }
0x67: {  	[sflag:s12] =	ssyncset.done $0x0  }
0x68: {  	[sflag:s12] =	ssyncadd.s32 $0xFFFFE800  }
0x69: {  	_ =	swait.ge [sflag:s17], $0x1800  }
.Ltmp0:
0x6a: {  	[sflag:s17] =	ssyncset.done $0x0;
	(pc) =	sbr.rel @p0 .LBB2_2-.Ltmp0, $4  }
0x6b: {  	s22 =	sadd.s32 $0x2A00, s22;
	[sflag:s17] =	ssyncadd.s32 $0xFFFFE800  }
0x6c: {  	[spmem:s2] =	stream.indirect.scatter.add.f32 [tilespmem:s15], [sflag:$0x3], $0x30, s22, s14, $0xb8;
	[tilespmem:$0xF800] =	vst v63  }
0x6d: {  	_ =	swait.ge [sflag:s12], $0x1800  }
0x6e: {  	s23 =	smov.u32 s21;
	[sflag:s12] =	ssyncset.done $0x0  }
0x6f: {  	s20 =	sshra.s32 s20, $0x2;
	[sflag:s12] =	ssyncadd.s32 $0xFFFFE800  }
0x70: {  	[tilespmem:s15], [sflag:$0x1] =	stream.indirect.gather [hbm4b:s4+s14], $0x30, s20, s14, $0xb8;
	[tilespmem:$0xF800] =	vst v63  }
0x71: {  	s21 =	sadd.s32 $0x80, s20  }
0x72: {  	[tilespmem:s16], [sflag:$0x2] =	stream.indirect.gather [hbm4b:s4+s14], $0x30, s21, s14, $0xb8;
	[tilespmem:$0xF800] =	vst v63  }
0x73: {  	_ =	swait.ge [sflag:s17], $0x1800  }
0x74: {  	[sflag:s17] =	ssyncset.done $0x0  }
0x75: {  	s24 =	sadd.s32 $0x2800, s20;
	[sflag:s17] =	ssyncadd.s32 $0xFFFFE800  }
0x76: {  	[spmem:s2] =	stream.indirect.scatter.add.f32 [tilespmem:s15], [sflag:$0x3], $0x30, s24, s14, $0xb8;
	[tilespmem:$0xF800] =	vst v63  }
0x77: {  	_ =	swait.ge [sflag:s12], $0x1800  }
0x78: {  	[sflag:s12] =	ssyncset.done $0x0  }
0x79: {  	s25 =	sadd.s32 $0x100, s20;
	[sflag:s12] =	ssyncadd.s32 $0xFFFFE800  }
0x7a: {  	[tilespmem:s15], [sflag:$0x1] =	stream.indirect.gather [hbm4b:s4+s14], $0x30, s25, s14, $0xb8;
	[tilespmem:$0xF800] =	vst v63  }
0x7b: {  	_ =	swait.ge [sflag:s18], $0x1800  }
0x7c: {  	[sflag:s18] =	ssyncset.done $0x0  }
0x7d: {  	s26 =	sadd.s32 $0x2880, s20;
	[sflag:s18] =	ssyncadd.s32 $0xFFFFE800  }
0x7e: {  	[spmem:s2] =	stream.indirect.scatter.add.f32 [tilespmem:s16], [sflag:$0x3], $0x30, s26, s14, $0xb8;
	[tilespmem:$0xF800] =	vst v63  }
0x7f: {  	_ =	swait.ge [sflag:s12], $0x1800  }
0x80: {  	[sflag:s12] =	ssyncset.done $0x0  }
0x81: {  	s28 =	sadd.s32 $0x180, s20;
	[sflag:s12] =	ssyncadd.s32 $0xFFFFE800  }
0x82: {  	[tilespmem:s16], [sflag:$0x2] =	stream.indirect.gather [hbm4b:s4+s14], $0x30, s28, s14, $0xb8;
	[tilespmem:$0xF800] =	vst v63  }
0x83: {  	_ =	swait.ge [sflag:s17], $0x1800  }
0x84: {  	[sflag:s17] =	ssyncset.done $0x0  }
0x85: {  	s29 =	sadd.s32 $0x2900, s20;
	[sflag:s17] =	ssyncadd.s32 $0xFFFFE800  }
0x86: {  	[spmem:s2] =	stream.indirect.scatter.add.f32 [tilespmem:s15], [sflag:$0x3], $0x30, s29, s14, $0xb8;
	[tilespmem:$0xF800] =	vst v63  }
0x87: {  	_ =	swait.ge [sflag:s12], $0x1800  }
0x88: {  	[sflag:s12] =	ssyncset.done $0x0  }
0x89: {  	s30 =	sadd.s32 $0x200, s20;
	[sflag:s12] =	ssyncadd.s32 $0xFFFFE800  }
0x8a: {  	[tilespmem:s15], [sflag:$0x1] =	stream.indirect.gather [hbm4b:s4+s14], $0x30, s30, s14, $0xb8;
	[tilespmem:$0xF800] =	vst v63  }
0x8b: {  	_ =	swait.ge [sflag:s18], $0x1800  }
0x8c: {  	[sflag:s18] =	ssyncset.done $0x0  }
0x8d: {  	s31 =	sadd.s32 $0x2980, s20;
	[sflag:s18] =	ssyncadd.s32 $0xFFFFE800  }
0x8e: {  	[spmem:s2] =	stream.indirect.scatter.add.f32 [tilespmem:s16], [sflag:$0x3], $0x30, s31, s14, $0xb8;
	[tilespmem:$0xF800] =	vst v63  }
0x8f: {  	_ =	swait.ge [sflag:s12], $0x1800  }
0x90: {  	[sflag:s12] =	ssyncset.done $0x0  }
0x91: {  	[sflag:s12] =	ssyncadd.s32 $0xFFFFE800  }
0x92: {  	_ =	swait.ge [sflag:s17], $0x1800  }
0x93: {  	[sflag:s17] =	ssyncset.done $0x0  }
0x94: {  	s20 =	sadd.s32 $0x2A00, s20;
	[sflag:s17] =	ssyncadd.s32 $0xFFFFE800  }
0x95: {  	[spmem:s2] =	stream.indirect.scatter.add.f32 [tilespmem:s15], [sflag:$0x3], $0x30, s20, s14, $0xb8;
	[tilespmem:$0xF800] =	vst v63  }
0x96: {  	_ =	swait.ge [sflag:s12], $0x1800  }
0x97: {  	[sflag:s12] =	ssyncset.done $0x0  }
0x98: {  	[sflag:s12] =	ssyncadd.s32 $0xFFFFE800  }
0x99: {  	[bflag:$0x0] =	sbarrier.arrive $0xFFFF  }
0x9a: {  	_ =	sdelay $0x7ff  }
0x9b: {  	_ =	sdelay $0x7ff  }
0x9c: {  	_ =	sdelay $0x7ff  }
0x9d: {  	_ =	sdelay $0x7ff  }
0x9e: {  	_ =	sdelay $0x7ff  }
0x9f: {  	_ =	sdelay $0x7ff  }
0xa0: {  	_ =	sdelay $0x7ff  }
0xa1: {  	s19 =	sadd.s32 $0x1, s19;
	_ =	sdelay $0x7ff  }
0xa2: {  	p0 =	sne.s32 s19, s10;
	_ =	sdelay $0x7  }
.Ltmp1:
0xa3: {  	[bflag:$0x0] =	sbarrier.arrive $0xFFFF;
	(pc) =	sbr.rel @p0 .LBB2_1-.Ltmp1, $4  }
0xa4: {  	[hbm:s9], [sflag:s6] =	dma.local [spmem:s11], $0xF00  }
0xa5: {  	_ =	swait.ge [sflag:s12], $0xF00  }
0xa6: {  	[sflag:s12] =	ssyncset.done $0x0  }
0xa7: {  	[sflag:s12] =	ssyncadd.s32 $0xFFFFF100  }
0xa8: {  	_ =	sfence.sel $0x180000  }
0xa9: {  	[bflag:$0x0] =	sbarrier.arrive $0xFFFF  }
0xaa: {  	p0 =	sne.s32 s0, $0x0;
	_ =	strace $0x9000004A  }
0xab: {  	s0 =	sadd.s32 @!p0 $0x100000, s1;
	[bflag:$0x2] =	sbarrier.arrive $0xFFFF  }
0xac: {  	[sflag:s0] =	ssyncadd.tile.s32 @!p0 $0x1;
	_ =	shalt  }
.Lfunc_end2:
_tile_overlayer_lowered:
.L_overlay_start_2:
0xad: {  	(tag) =	ssettag $0x2  }
0xae: {  	s0 =	rddreg [dreg:$0x0];
	s2 =	stileid.u32  }
0xaf: {  	s1 =	rddreg [dreg:$0x1];
	p0 =	sne.s32 s2, $0x0  }
0xb0: {  	s3 =	rddreg [dreg:$0x2];
	[bflag:$0x3] =	sbarrier.arrive $0xFFFF;
	s2 =	simm.s32 @!p0 $0x1C03  }
0xb1: {  	[timem:s3], [sflag:s2] =	dma.local @!p0 [hbm:s0], s1  }
0xb2: {  	s0 =	simm.s32 @!p0 $0x3  }
0xb3: {  	_ =	swait.ge @!p0 [sflag:s0], s1  }
0xb4: {  	s1 =	ssub.s32 @!p0 $0x0, s1;
	[sflag:s0] =	ssyncset.done @!p0 $0x0  }
0xb5: {  	[sflag:s0] =	ssyncadd.s32 @!p0 s1  }
0xb6: {  	[bflag:$0x3] =	sbarrier.arrive $0xFFFF  }
0xb7: {  	_ =	shalt  }

// kernel: kernel.14.cloned.1.call-start
scs
__scs_entry_jumppad:
0x0: {  	(pc) =	sbr.rel $0x88, $3  }
0x1: {  	(tag) =	ssettag $0x0;
	lr =	simm.s32 $0x1  }
0x2: {  	[smem:$0x3F9D] =	sst lr;
	_ =	strace $0xD0000000  }
0x3: {  	_ = 	snop  }
0x4: {  	_ = 	snop  }
0x5: {  	_ = 	snop  }
0x6: {  	_ = 	snop  }
0x7: {  	_ = 	snop  }
__scs_overlays_trampoline_lowered:
0x8: {  	[smem:$0x3FAC] =	sst s0  }
0x9: {  	[smem:$0x3FAD] =	sst s1  }
0xa: {  	[smem:$0x3FAE] =	sst s2  }
0xb: {  	[smem:$0x3FAF] =	sst s3  }
0xc: {  	[smem:$0x3FB0] =	sst s4  }
0xd: {  	[smem:$0x3FB1] =	sst s5  }
0xe: {  	[smem:$0x3FB2] =	sst s6  }
0xf: {  	[smem:$0x3FB3] =	sst s7  }
0x10: {  	[smem:$0x3FB4] =	sst s8  }
0x11: {  	[smem:$0x3FB5] =	sst s9;
	s0 =	simm.s32 @!p0 $0x0  }
0x12: {  	s1 =	sld [smem:$0x3F9B];
	s0 =	simm.s32 @p0 $0x1  }
0x13: {  	[smem:$0x3FB6] =	sst s0;
	s0 =	simm.s32 @!p1 $0x0  }
0x14: {  	s2 =	sld [smem:$0x3F9A];
	s0 =	simm.s32 @p1 $0x1  }
0x15: {  	[smem:$0x3FB7] =	sst s0;
	s0 =	simm.s32 @!p2 $0x0  }
0x16: {  	s3 =	sld [smem:$0x3FDB];
	s0 =	simm.s32 @p2 $0x1  }
0x17: {  	s4 =	simm.s32 $0x1BF5;
	[smem:$0x3FB9] =	sst s0  }
0x18: {  	s0 =	sld [smem:$0x3F9C];
	_ =	swait.ge [sflag:s4], $0x0  }
0x19: {  	s7 =	sld [smem:$0x3F9D]  }
0x1a: {  	s8 =	sadd.s32 $0xFFFFE003, lr  }
0x1b: {  	s9 =	sadd.s32 $0xFFFFFEF7, lr;
	s5 =	simm.s32 $0xFFFFFFFF;
	p2 =	slt.u32 s8, $0xFFFFF086  }
0x1c: {  	p1 =	slt.u32 s9, $0xF7A;
	s5 =	simm.s32 @!p2 $0x0  }
0x1d: {  	s5 =	simm.s32 @p1 $0x1;
	p0 =	seq.s32 s7, s2  }
0x1e: {  	s7 =	smul.u32 @!p0 $0xF7A, s2;
	p2 =	seq.s32 @!p0 s5, $0x0  }
0x1f: {  	s9 =	smul.u32 $0xF7A, s1;
	s8 =	simm.s32 @!p0 $0x1BF5;
	p2 =	por !p2, p0  }
0x20: {  	[sflag:s8] =	ssyncset.s32 @!p0 $0xFFFFF086;
	s6 =	sadd.s32 @!p0 s3, s7;
	s7 =	simm.s32 @!p0 $0x108  }
0x21: {  	s3 =	sadd.s32 s3, s9;
	s6 =	sadd.s32 @!p0 $0x88, s6;
	s7 =	simm.s32 @p2 $0x1082  }
0x22: {  	[simem:s7], [sflag:s8] =	dma.local @!p0 [hbm:s6], $0xF7A  }
0x23: {  	s9 =	sor.u32 $0xD0000000, s2;
	s6 =	simm.s32 $0x108;
	_ =	swait.ge @!p0 [sflag:s8], $0x0  }
0x24: {  	s3 =	sadd.s32 $0x88, s3;
	s6 =	simm.s32 @!p1 $0x1082;
	[sflag:s4] =	ssyncset.s32 $0xFFFFF086  }
0x25: {  	[simem:s6], [sflag:s4] =	dma.local [hbm:s3], $0xF7A  }
0x26: {  	[smem:$0x3F9D] =	sst s1;
	(tag) =	ssettag s2;
	_ =	strace s9  }
0x27: {  	s1 =	sld [smem:$0x3FAD]  }
0x28: {  	s2 =	sld [smem:$0x3FAE]  }
0x29: {  	s4 =	sld [smem:$0x3FB0]  }
0x2a: {  	p0 =	seq.s32 s5, $0x0;
	s5 =	sld [smem:$0x3FB1]  }
0x2b: {  	s6 =	sld [smem:$0x3FB2]  }
0x2c: {  	s7 =	sld [smem:$0x3FB3]  }
0x2d: {  	s3 =	simm.s32 $0x108;
	s8 =	sld [smem:$0x3FB4]  }
0x2e: {  	s3 =	simm.s32 @!p0 $0x1082;
	s9 =	sld [smem:$0x3FB5]  }
0x2f: {  	lr =	sadd.s32 s0, s3;
	s0 =	sld [smem:$0x3FAC]  }
0x30: {  	s3 =	sld [smem:$0x3FAF]  }
0x31: {  	[smem:$0x3FB8] =	sst s10  }
0x32: {  	s10 =	sld [smem:$0x3FB6];
	_ =	sdelay $0x3  }
0x33: {  	p0 =	seq.s32 s10, $0x1;
	s10 =	sld [smem:$0x3FB8];
	_ =	sdelay $0x3  }
0x34: {  	[smem:$0x3FB8] =	sst s10  }
0x35: {  	s10 =	sld [smem:$0x3FB7];
	_ =	sdelay $0x3  }
0x36: {  	p1 =	seq.s32 s10, $0x1;
	s10 =	sld [smem:$0x3FB8];
	_ =	sdelay $0x3  }
0x37: {  	[smem:$0x3FB8] =	sst s10  }
0x38: {  	s10 =	sld [smem:$0x3FB9]  }
0x39: {  	_ = 	snop;
	(pc) =	sbr.ind lr, $3  }
0x3a: {  	_ = 	snop  }
0x3b: {  	_ = 	snop  }
0x3c: {  	p2 =	seq.s32 s10, $0x1;
	s10 =	sld [smem:$0x3FB8]  }
0x3d: {  	_ =	shalt  }
0x3e: {  	_ =	shalt  }
0x3f: {  	_ =	shalt  }
0x40: {  	_ =	shalt  }
0x41: {  	_ =	shalt  }
0x42: {  	_ =	shalt  }
0x43: {  	_ =	shalt  }
0x44: {  	_ =	shalt  }
0x45: {  	_ =	shalt  }
0x46: {  	_ =	shalt  }
0x47: {  	_ =	shalt  }
0x48: {  	_ =	shalt  }
0x49: {  	_ =	shalt  }
0x4a: {  	_ =	shalt  }
0x4b: {  	_ =	shalt  }
0x4c: {  	_ =	shalt  }
0x4d: {  	_ =	shalt  }
0x4e: {  	_ =	shalt  }
0x4f: {  	_ =	shalt  }
0x50: {  	_ =	shalt  }
0x51: {  	_ =	shalt  }
0x52: {  	_ =	shalt  }
0x53: {  	_ =	shalt  }
0x54: {  	_ =	shalt  }
0x55: {  	_ =	shalt  }
0x56: {  	_ =	shalt  }
0x57: {  	_ =	shalt  }
0x58: {  	_ =	shalt  }
0x59: {  	_ =	shalt  }
0x5a: {  	_ =	shalt  }
0x5b: {  	_ =	shalt  }
0x5c: {  	_ =	shalt  }
0x5d: {  	_ =	shalt  }
0x5e: {  	_ =	shalt  }
0x5f: {  	_ =	shalt  }
0x60: {  	_ =	shalt  }
0x61: {  	_ =	shalt  }
0x62: {  	_ =	shalt  }
0x63: {  	_ =	shalt  }
0x64: {  	_ =	shalt  }
0x65: {  	_ =	shalt  }
0x66: {  	_ =	shalt  }
0x67: {  	_ =	shalt  }
0x68: {  	_ =	shalt  }
0x69: {  	_ =	shalt  }
0x6a: {  	_ =	shalt  }
0x6b: {  	_ =	shalt  }
0x6c: {  	_ =	shalt  }
0x6d: {  	_ =	shalt  }
0x6e: {  	_ =	shalt  }
0x6f: {  	_ =	shalt  }
0x70: {  	_ =	shalt  }
0x71: {  	_ =	shalt  }
0x72: {  	_ =	shalt  }
0x73: {  	_ =	shalt  }
0x74: {  	_ =	shalt  }
0x75: {  	_ =	shalt  }
0x76: {  	_ =	shalt  }
0x77: {  	_ =	shalt  }
0x78: {  	_ =	shalt  }
0x79: {  	_ =	shalt  }
0x7a: {  	_ =	shalt  }
0x7b: {  	_ =	shalt  }
0x7c: {  	_ =	shalt  }
0x7d: {  	_ =	shalt  }
0x7e: {  	_ =	shalt  }
0x7f: {  	_ =	shalt  }
0x80: {  	_ =	shalt  }
0x81: {  	_ =	shalt  }
0x82: {  	_ =	shalt  }
0x83: {  	_ =	shalt  }
0x84: {  	_ =	shalt  }
0x85: {  	_ =	shalt  }
0x86: {  	_ =	shalt  }
0x87: {  	_ =	shalt  }
.Lfunc_end0:
.L_simem_size_0:
called_computation.2_lowered:
.L_overlay_start_0:
0x88: {  	s2 =	sld [smem:$0x3FD9]  }
0x89: {  	s3 =	sld [smem:$0x3FFE];
	_ =	sdelay $0x1  }
0x8a: {  	s1 =	srdreg.scid  }
0x8b: {  	s0 =	sand.u32 $0x1, s1  }
0x8c: {  	s17 =	sshll.u32 s0, $0xA;
	s2 =	sadd.s32 s3, s2  }
0x8d: {  	s2 =	sadd.s32 s2, s17  }
0x8e: {  	[smem:$0x3FC4] =	sst s2  }
0x8f: {  	_ = 	snop  }
0x90: {  	s2 =	sld [smem:$0x3FD0];
	(tm) =	ssettm $0x1  }
0x91: {  	s18 =	sld [smem:$0x3FFB];
	_ =	sdelay $0x3  }
0x92: {  	_ =	strace s18  }
0x93: {  	s3 =	sld [smem:$0x3FFC];
	_ =	sdelay $0x3  }
0x94: {  	_ =	strace s3  }
0x95: {  	s3 =	sld [smem:$0x3FFD];
	_ =	sdelay $0x3  }
0x96: {  	_ =	strace s3  }
0x97: {  	_ =	strace $0x8FFFFFFF  }
0x98: {  	s19 =	sld [smem:$0x3FDB];
	_ =	sdelay $0x1  }
0x99: {  	s4 =	simm.s32 $_scs_section_size  }
0x9a: {  	s5 =	simm.s32 $_size__tile_overlayer_lowered;
	s6 =	simm.s32 $_tile_overlayer_lowered  }
0x9b: {  	s22 =	simm.s32 $0x1BFF;
	s21 =	sshll.u32 s6, $0x1;
	s3 =	sadd.s32 s4, s19  }
0x9c: {  	s7 =	simm.s32 $0x0;
	s20 =	sshll.u32 s5, $0x1;
	s5 =	sadd.s32 s21, s3  }
0x9d: {  	[timem:s7], [sflag:s22] =	dma.local [hbm:s5], s20  }
0x9e: {  	_ =	swait.ge [sflag:s22], s20  }
0x9f: {  	s4 =	ssub.s32 $0x0, s20;
	[sflag:s22] =	ssyncset.done $0x0  }
0xa0: {  	[sflag:s22] =	ssyncadd.s32 s4;
	_ =	sdelay $0x1  }
0xa1: {  	s23 =	simm.s32 $0x1B8B  }
0xa2: {  	_ =	swait.ge [sflag:s23], $0x1  }
0xa3: {  	[sflag:s23] =	ssyncset.done $0x0  }
0xa4: {  	s25 =	simm.s32 $0x1B8E;
	s24 =	sld [smem:$0x3FFE];
	[sflag:s23] =	ssyncadd.s32 $0xFFFFFFFF  }
0xa5: {  	s26 =	simm.s32 $execute0_lowered;
	[smem:$0x3FD2] =	sst s25  }
0xa6: {  	s5 =	sshll.u32 s26, $0x1;
	_ =	strace $0x8000004C;
	[dreg:$0x1] =	wrdreg $0xFFFFFFFF  }
0xa7: {  	s28 =	simm.s32 $_size_execute0_lowered;
	s3 =	sadd.s32 s3, s5;
	[dreg:$0x0] =	wrdreg $0x0  }
0xa8: {  	s5 =	sshll.u32 s28, $0x1;
	[dreg:$0x2] =	wrdreg s3  }
0xa9: {  	[dreg:$0x3] =	wrdreg s5  }
0xaa: {  	[dreg:$0x4] =	wrdreg $0xC0  }
0xab: {  	_ =	task [dreg:s7], $0x5FFFF  }
0xac: {  	[dreg:$0x1] =	wrdreg $0xFFFFFFFF  }
0xad: {  	[dreg:$0x0] =	wrdreg $0x60  }
0xae: {  	[dreg:$0x2] =	wrdreg s24  }
0xaf: {  	[dreg:$0x3] =	wrdreg s2  }
0xb0: {  	[dreg:$0x4] =	wrdreg $0x80000  }
0xb1: {  	[dreg:$0x5] =	wrdreg $0x9  }
0xb2: {  	_ =	task.clear_ibuf [dreg:s7], $0x6FFFF;
	_ =	strace $0x9000004C  }
0xb3: {  	s29 =	simm.s32 $0x9;
	_ =	strace $0x8000004E  }
0xb4: {  	_ =	swait.ge [sflag:s29], $0x1  }
0xb5: {  	[sflag:s29] =	ssyncadd.s32 $0xFFFFFFFF  }
0xb6: {  	_ =	strace $0x9000004E  }
0xb7: {  	_ =	sfence  }
0xb8: {  	s30 =	sld [smem:$0x0];
	_ =	sdelay $0x2  }
0xb9: {  	s31 =	sshll.u32 s1, $0xD;
	s1 =	sshrl.u32 s1, $0x2  }
0xba: {  	s3 =	sand.u32 $0x4000, s31;
	s1 =	sadd.s32 s1, s30  }
0xbb: {  	s0 =	sor.u32 s3, s0;
	s1 =	sshll.u32 s1, $0x11  }
0xbc: {  	s0 =	sor.u32 s1, s0  }
0xbd: {  	s0 =	sadd.s32 $0x8F2B, s0  }
0xbe: {  	[sflag:s0] =	ssyncadd.remote.s32 $0x1  }
0xbf: {  	_ =	sfence.sel $0xFFFF  }
0xc0: {  	[dreg:$0x0] =	wrdreg $0xFFFFFFFF;
	(pc) =	sbr.abs _section_cstart, $3  }
0xc1: {  	[dreg:$0x1] =	wrdreg $0xFFFFFFFF  }
0xc2: {  	_ =	task.clear_ibuf [dreg:s7], $0x2FFFF;
	_ =	strace $0x9FFFFFFF  }
0xc3: {  	(tm) =	ssettm $0x7FFFFFFF  }
tec
execute0_lowered:
.L_overlay_start_1:
0x0: {  	(tag) =	ssettag $0x1  }
0x1: {  	s6 =	rddreg [dreg:$0x0]  }
0x2: {  	s0 =	srdreg.scid;
	s8 =	rddreg [dreg:$0x1]  }
0x3: {  	s2 =	rddreg [dreg:$0x2];
	s3 =	simm.s32 $0x0;
	s15 =	simm.s32 $0x5000  }
0x4: {  	s16 =	simm.s32 $0x6800;
	s17 =	simm.s32 $0x1;
	s18 =	simm.s32 $0x2  }
0x5: {  	s19 =	simm.s32 $0x0;
	s5 =	sand.u32 $0x1, s0;
	s0 =	stileid.u32  }
0x6: {  	[smem:$0x7FF] =	sst s3;
	s4 =	sadd.s32 $0x12800, s6;
	s7 =	smul.u32 $0x7800, s0  }
0x7: {  	s1 =	sshll.u32 s5, $0x4;
	s10 =	smul.u32 $0x78000, s5;
	s5 =	ssub.s32 $0x2, s5  }
0x8: {  	s31 =	sshll.u32 s0, $0x6;
	s1 =	sor.u32 s0, s1;
	s30 =	sshrl.u32 s5, $0x1  }
0x9: {  	s9 =	smul.u32 $0x500, s1;
	s1 =	rddreg [dreg:$0x3];
	_ =	strace $0x8000004D  }
0xa: {  	s10 =	sadd.s32 s7, s10;
	s12 =	sshrl.u32 s7, $0x3;
	s13 =	ssub.s32 s5, s30  }
0xb: {  	s14 =	sadd.s32 s7, s2;
	s10 =	sshrl.u32 s10, $0x3;
	s12 =	sadd.s32 s12, s6  }
0xc: {  	s11 =	sadd.s32 s9, s6;
	s10 =	sadd.s32 s10, s6;
	s5 =	sadd.s32 $0x21800, s12  }
0xd: {  	s6 =	sor.u32 $0x1C03, s31;
	s8 =	sadd.s32 s8, s9;
	s12 =	simm.s32 $0x3  }
0xe: {  	s7 =	sadd.s32 $0x8800, s11;
	s9 =	sadd.s32 $0x30800, s10;
	s10 =	smax.u32 s13, $0x1  }
0xf: {  	s11 =	sshrl.u32 s14, $0x3;
	s13 =	simm.s32 $0x2800;
	s14 =	simm.s32 $0x80  }
.LBB2_1:
0x10: {  	[spmem:s11], [sflag:s6] =	dma.local [hbm:s5], $0xF00  }
0x11: {  	_ =	swait.ge [sflag:s12], $0xF00  }
0x12: {  	[sflag:s12] =	ssyncset.done $0x0  }
0x13: {  	[sflag:s12] =	ssyncadd.s32 $0xFFFFF100  }
0x14: {  	[tilespmem:s3], [sflag:$0x3] =	stream.linear.gather [hbm4b:s7+s3], $0x2800, $0x38;
	[tilespmem:$0xF800] =	vst v63  }
0x15: {  	_ =	swait.ge [sflag:s12], $0x2800  }
0x16: {  	[sflag:s12] =	ssyncset.done $0x0  }
0x17: {  	[sflag:s12] =	ssyncadd.s32 $0xFFFFD800  }
0x18: {  	[tilespmem:s13], [sflag:$0x3] =	stream.linear.gather [hbm4b:s8+s3], $0x2800, $0x38;
	[tilespmem:$0xF800] =	vst v63  }
0x19: {  	_ =	swait.ge [sflag:s12], $0x2800  }
0x1a: {  	[sflag:s12] =	ssyncset.done $0x0  }
0x1b: {  	[sflag:s12] =	ssyncadd.s32 $0xFFFFD800  }
0x1c: {  	s20 =	simm.s32 $0x0;
	[bflag:$0x0] =	sbarrier.arrive $0xFFFF  }
0x1d: {  	[tilespmem:s15], [sflag:$0x1] =	stream.indirect.gather [hbm4b:s4+s14], $0x30, s20, s14, $0xb8;
	[tilespmem:$0xF800] =	vst v63  }
0x1e: {  	s22 =	simm.s32 $0x80  }
0x1f: {  	[tilespmem:s16], [sflag:$0x2] =	stream.indirect.gather [hbm4b:s4+s14], $0x30, s22, s14, $0xb8;
	[tilespmem:$0xF800] =	vst v63  }
0x20: {  	_ =	swait.ge [sflag:s17], $0x1800  }
0x21: {  	[sflag:s17] =	ssyncset.done $0x0  }
0x22: {  	s23 =	simm.s32 $0x2800;
	[sflag:s17] =	ssyncadd.s32 $0xFFFFE800  }
0x23: {  	[spmem:s2] =	stream.indirect.scatter.add.f32 [tilespmem:s15], [sflag:$0x3], $0x30, s23, s14, $0xb8;
	[tilespmem:$0xF800] =	vst v63  }
0x24: {  	_ =	swait.ge [sflag:s12], $0x1800  }
0x25: {  	[sflag:s12] =	ssyncset.done $0x0  }
0x26: {  	s24 =	simm.s32 $0x100;
	[sflag:s12] =	ssyncadd.s32 $0xFFFFE800  }
0x27: {  	[tilespmem:s15], [sflag:$0x1] =	stream.indirect.gather [hbm4b:s4+s14], $0x30, s24, s14, $0xb8;
	[tilespmem:$0xF800] =	vst v63  }
0x28: {  	_ =	swait.ge [sflag:s18], $0x1800  }
0x29: {  	[sflag:s18] =	ssyncset.done $0x0  }
0x2a: {  	s25 =	simm.s32 $0x2880;
	[sflag:s18] =	ssyncadd.s32 $0xFFFFE800  }
0x2b: {  	[spmem:s2] =	stream.indirect.scatter.add.f32 [tilespmem:s16], [sflag:$0x3], $0x30, s25, s14, $0xb8;
	[tilespmem:$0xF800] =	vst v63  }
0x2c: {  	_ =	swait.ge [sflag:s12], $0x1800  }
0x2d: {  	[sflag:s12] =	ssyncset.done $0x0  }
0x2e: {  	s26 =	simm.s32 $0x180;
	[sflag:s12] =	ssyncadd.s32 $0xFFFFE800  }
0x2f: {  	[tilespmem:s16], [sflag:$0x2] =	stream.indirect.gather [hbm4b:s4+s14], $0x30, s26, s14, $0xb8;
	[tilespmem:$0xF800] =	vst v63  }
0x30: {  	_ =	swait.ge [sflag:s17], $0x1800  }
0x31: {  	[sflag:s17] =	ssyncset.done $0x0  }
0x32: {  	s28 =	simm.s32 $0x2900;
	[sflag:s17] =	ssyncadd.s32 $0xFFFFE800  }
0x33: {  	[spmem:s2] =	stream.indirect.scatter.add.f32 [tilespmem:s15], [sflag:$0x3], $0x30, s28, s14, $0xb8;
	[tilespmem:$0xF800] =	vst v63  }
0x34: {  	_ =	swait.ge [sflag:s12], $0x1800  }
0x35: {  	[sflag:s12] =	ssyncset.done $0x0  }
0x36: {  	s29 =	simm.s32 $0x200;
	[sflag:s12] =	ssyncadd.s32 $0xFFFFE800  }
0x37: {  	[tilespmem:s15], [sflag:$0x1] =	stream.indirect.gather [hbm4b:s4+s14], $0x30, s29, s14, $0xb8;
	[tilespmem:$0xF800] =	vst v63  }
0x38: {  	_ =	swait.ge [sflag:s18], $0x1800  }
0x39: {  	[sflag:s18] =	ssyncset.done $0x0  }
0x3a: {  	s30 =	simm.s32 $0x2980;
	[sflag:s18] =	ssyncadd.s32 $0xFFFFE800  }
0x3b: {  	[spmem:s2] =	stream.indirect.scatter.add.f32 [tilespmem:s16], [sflag:$0x3], $0x30, s30, s14, $0xb8;
	[tilespmem:$0xF800] =	vst v63  }
0x3c: {  	_ =	swait.ge [sflag:s12], $0x1800  }
0x3d: {  	[sflag:s12] =	ssyncset.done $0x0  }
0x3e: {  	[sflag:s12] =	ssyncadd.s32 $0xFFFFE800  }
0x3f: {  	_ =	swait.ge [sflag:s17], $0x1800  }
0x40: {  	[sflag:s17] =	ssyncset.done $0x0  }
0x41: {  	s31 =	simm.s32 $0x2A00;
	[sflag:s17] =	ssyncadd.s32 $0xFFFFE800  }
0x42: {  	[spmem:s2] =	stream.indirect.scatter.add.f32 [tilespmem:s15], [sflag:$0x3], $0x30, s31, s14, $0xb8;
	[tilespmem:$0xF800] =	vst v63  }
0x43: {  	_ =	swait.ge [sflag:s12], $0x1800  }
0x44: {  	s20 =	simm.s32 $0xA00;
	s23 =	simm.s32 $0x1400;
	[sflag:s12] =	ssyncset.done $0x0  }
.LBB2_2:
0x45: {  	s22 =	sshra.s32 s20, $0x2  }
0x46: {  	[sflag:s12] =	ssyncadd.s32 $0xFFFFE800;
	s20 =	smov.u32 s23;
	s21 =	sadd.s32 $0xA00, s23  }
0x47: {  	[tilespmem:s15], [sflag:$0x1] =	stream.indirect.gather [hbm4b:s4+s14], $0x30, s22, s14, $0xb8;
	[tilespmem:$0xF800] =	vst v63  }
0x48: {  	p0 =	sne.s32 s23, $0x9600;
	s23 =	sadd.s32 $0x80, s22  }
0x49: {  	[tilespmem:s16], [sflag:$0x2] =	stream.indirect.gather [hbm4b:s4+s14], $0x30, s23, s14, $0xb8;
	[tilespmem:$0xF800] =	vst v63  }
0x4a: {  	_ =	swait.ge [sflag:s17], $0x1800  }
0x4b: {  	[sflag:s17] =	ssyncset.done $0x0  }
0x4c: {  	s23 =	sadd.s32 $0x2800, s22;
	[sflag:s17] =	ssyncadd.s32 $0xFFFFE800  }
0x4d: {  	[spmem:s2] =	stream.indirect.scatter.add.f32 [tilespmem:s15], [sflag:$0x3], $0x30, s23, s14, $0xb8;
	[tilespmem:$0xF800] =	vst v63  }
0x4e: {  	_ =	swait.ge [sflag:s12], $0x1800  }
0x4f: {  	[sflag:s12] =	ssyncset.done $0x0  }
0x50: {  	s23 =	sadd.s32 $0x100, s22;
	[sflag:s12] =	ssyncadd.s32 $0xFFFFE800  }
0x51: {  	[tilespmem:s15], [sflag:$0x1] =	stream.indirect.gather [hbm4b:s4+s14], $0x30, s23, s14, $0xb8;
	[tilespmem:$0xF800] =	vst v63  }
0x52: {  	_ =	swait.ge [sflag:s18], $0x1800  }
0x53: {  	[sflag:s18] =	ssyncset.done $0x0  }
0x54: {  	s23 =	sadd.s32 $0x2880, s22;
	[sflag:s18] =	ssyncadd.s32 $0xFFFFE800  }
0x55: {  	[spmem:s2] =	stream.indirect.scatter.add.f32 [tilespmem:s16], [sflag:$0x3], $0x30, s23, s14, $0xb8;
	[tilespmem:$0xF800] =	vst v63  }
0x56: {  	_ =	swait.ge [sflag:s12], $0x1800  }
0x57: {  	[sflag:s12] =	ssyncset.done $0x0  }
0x58: {  	s23 =	sadd.s32 $0x180, s22;
	[sflag:s12] =	ssyncadd.s32 $0xFFFFE800  }
0x59: {  	[tilespmem:s16], [sflag:$0x2] =	stream.indirect.gather [hbm4b:s4+s14], $0x30, s23, s14, $0xb8;
	[tilespmem:$0xF800] =	vst v63  }
0x5a: {  	_ =	swait.ge [sflag:s17], $0x1800  }
0x5b: {  	[sflag:s17] =	ssyncset.done $0x0  }
0x5c: {  	s23 =	sadd.s32 $0x2900, s22;
	[sflag:s17] =	ssyncadd.s32 $0xFFFFE800  }
0x5d: {  	[spmem:s2] =	stream.indirect.scatter.add.f32 [tilespmem:s15], [sflag:$0x3], $0x30, s23, s14, $0xb8;
	[tilespmem:$0xF800] =	vst v63  }
0x5e: {  	_ =	swait.ge [sflag:s12], $0x1800  }
0x5f: {  	[sflag:s12] =	ssyncset.done $0x0  }
0x60: {  	s23 =	sadd.s32 $0x200, s22;
	[sflag:s12] =	ssyncadd.s32 $0xFFFFE800  }
0x61: {  	[tilespmem:s15], [sflag:$0x1] =	stream.indirect.gather [hbm4b:s4+s14], $0x30, s23, s14, $0xb8;
	[tilespmem:$0xF800] =	vst v63  }
0x62: {  	_ =	swait.ge [sflag:s18], $0x1800  }
0x63: {  	[sflag:s18] =	ssyncset.done $0x0  }
0x64: {  	s23 =	sadd.s32 $0x2980, s22;
	[sflag:s18] =	ssyncadd.s32 $0xFFFFE800  }
0x65: {  	[spmem:s2] =	stream.indirect.scatter.add.f32 [tilespmem:s16], [sflag:$0x3], $0x30, s23, s14, $0xb8;
	[tilespmem:$0xF800] =	vst v63  }
0x66: {  	_ =	swait.ge [sflag:s12], $0x1800  }
0x67: {  	[sflag:s12] =	ssyncset.done $0x0  }
0x68: {  	[sflag:s12] =	ssyncadd.s32 $0xFFFFE800  }
0x69: {  	_ =	swait.ge [sflag:s17], $0x1800  }
.Ltmp0:
0x6a: {  	[sflag:s17] =	ssyncset.done $0x0;
	(pc) =	sbr.rel @p0 .LBB2_2-.Ltmp0, $4  }
0x6b: {  	s22 =	sadd.s32 $0x2A00, s22;
	[sflag:s17] =	ssyncadd.s32 $0xFFFFE800  }
0x6c: {  	[spmem:s2] =	stream.indirect.scatter.add.f32 [tilespmem:s15], [sflag:$0x3], $0x30, s22, s14, $0xb8;
	[tilespmem:$0xF800] =	vst v63  }
0x6d: {  	_ =	swait.ge [sflag:s12], $0x1800  }
0x6e: {  	s23 =	smov.u32 s21;
	[sflag:s12] =	ssyncset.done $0x0  }
0x6f: {  	s20 =	sshra.s32 s20, $0x2;
	[sflag:s12] =	ssyncadd.s32 $0xFFFFE800  }
0x70: {  	[tilespmem:s15], [sflag:$0x1] =	stream.indirect.gather [hbm4b:s4+s14], $0x30, s20, s14, $0xb8;
	[tilespmem:$0xF800] =	vst v63  }
0x71: {  	s21 =	sadd.s32 $0x80, s20  }
0x72: {  	[tilespmem:s16], [sflag:$0x2] =	stream.indirect.gather [hbm4b:s4+s14], $0x30, s21, s14, $0xb8;
	[tilespmem:$0xF800] =	vst v63  }
0x73: {  	_ =	swait.ge [sflag:s17], $0x1800  }
0x74: {  	[sflag:s17] =	ssyncset.done $0x0  }
0x75: {  	s24 =	sadd.s32 $0x2800, s20;
	[sflag:s17] =	ssyncadd.s32 $0xFFFFE800  }
0x76: {  	[spmem:s2] =	stream.indirect.scatter.add.f32 [tilespmem:s15], [sflag:$0x3], $0x30, s24, s14, $0xb8;
	[tilespmem:$0xF800] =	vst v63  }
0x77: {  	_ =	swait.ge [sflag:s12], $0x1800  }
0x78: {  	[sflag:s12] =	ssyncset.done $0x0  }
0x79: {  	s25 =	sadd.s32 $0x100, s20;
	[sflag:s12] =	ssyncadd.s32 $0xFFFFE800  }
0x7a: {  	[tilespmem:s15], [sflag:$0x1] =	stream.indirect.gather [hbm4b:s4+s14], $0x30, s25, s14, $0xb8;
	[tilespmem:$0xF800] =	vst v63  }
0x7b: {  	_ =	swait.ge [sflag:s18], $0x1800  }
0x7c: {  	[sflag:s18] =	ssyncset.done $0x0  }
0x7d: {  	s26 =	sadd.s32 $0x2880, s20;
	[sflag:s18] =	ssyncadd.s32 $0xFFFFE800  }
0x7e: {  	[spmem:s2] =	stream.indirect.scatter.add.f32 [tilespmem:s16], [sflag:$0x3], $0x30, s26, s14, $0xb8;
	[tilespmem:$0xF800] =	vst v63  }
0x7f: {  	_ =	swait.ge [sflag:s12], $0x1800  }
0x80: {  	[sflag:s12] =	ssyncset.done $0x0  }
0x81: {  	s28 =	sadd.s32 $0x180, s20;
	[sflag:s12] =	ssyncadd.s32 $0xFFFFE800  }
0x82: {  	[tilespmem:s16], [sflag:$0x2] =	stream.indirect.gather [hbm4b:s4+s14], $0x30, s28, s14, $0xb8;
	[tilespmem:$0xF800] =	vst v63  }
0x83: {  	_ =	swait.ge [sflag:s17], $0x1800  }
0x84: {  	[sflag:s17] =	ssyncset.done $0x0  }
0x85: {  	s29 =	sadd.s32 $0x2900, s20;
	[sflag:s17] =	ssyncadd.s32 $0xFFFFE800  }
0x86: {  	[spmem:s2] =	stream.indirect.scatter.add.f32 [tilespmem:s15], [sflag:$0x3], $0x30, s29, s14, $0xb8;
	[tilespmem:$0xF800] =	vst v63  }
0x87: {  	_ =	swait.ge [sflag:s12], $0x1800  }
0x88: {  	[sflag:s12] =	ssyncset.done $0x0  }
0x89: {  	s30 =	sadd.s32 $0x200, s20;
	[sflag:s12] =	ssyncadd.s32 $0xFFFFE800  }
0x8a: {  	[tilespmem:s15], [sflag:$0x1] =	stream.indirect.gather [hbm4b:s4+s14], $0x30, s30, s14, $0xb8;
	[tilespmem:$0xF800] =	vst v63  }
0x8b: {  	_ =	swait.ge [sflag:s18], $0x1800  }
0x8c: {  	[sflag:s18] =	ssyncset.done $0x0  }
0x8d: {  	s31 =	sadd.s32 $0x2980, s20;
	[sflag:s18] =	ssyncadd.s32 $0xFFFFE800  }
0x8e: {  	[spmem:s2] =	stream.indirect.scatter.add.f32 [tilespmem:s16], [sflag:$0x3], $0x30, s31, s14, $0xb8;
	[tilespmem:$0xF800] =	vst v63  }
0x8f: {  	_ =	swait.ge [sflag:s12], $0x1800  }
0x90: {  	[sflag:s12] =	ssyncset.done $0x0  }
0x91: {  	[sflag:s12] =	ssyncadd.s32 $0xFFFFE800  }
0x92: {  	_ =	swait.ge [sflag:s17], $0x1800  }
0x93: {  	[sflag:s17] =	ssyncset.done $0x0  }
0x94: {  	s20 =	sadd.s32 $0x2A00, s20;
	[sflag:s17] =	ssyncadd.s32 $0xFFFFE800  }
0x95: {  	[spmem:s2] =	stream.indirect.scatter.add.f32 [tilespmem:s15], [sflag:$0x3], $0x30, s20, s14, $0xb8;
	[tilespmem:$0xF800] =	vst v63  }
0x96: {  	_ =	swait.ge [sflag:s12], $0x1800  }
0x97: {  	[sflag:s12] =	ssyncset.done $0x0  }
0x98: {  	[sflag:s12] =	ssyncadd.s32 $0xFFFFE800  }
0x99: {  	[bflag:$0x0] =	sbarrier.arrive $0xFFFF  }
0x9a: {  	_ =	sdelay $0x7ff  }
0x9b: {  	_ =	sdelay $0x7ff  }
0x9c: {  	_ =	sdelay $0x7ff  }
0x9d: {  	_ =	sdelay $0x7ff  }
0x9e: {  	_ =	sdelay $0x7ff  }
0x9f: {  	_ =	sdelay $0x7ff  }
0xa0: {  	_ =	sdelay $0x7ff  }
0xa1: {  	s19 =	sadd.s32 $0x1, s19;
	_ =	sdelay $0x7ff  }
0xa2: {  	p0 =	sne.s32 s19, s10;
	_ =	sdelay $0x7  }
.Ltmp1:
0xa3: {  	[bflag:$0x0] =	sbarrier.arrive $0xFFFF;
	(pc) =	sbr.rel @p0 .LBB2_1-.Ltmp1, $4  }
0xa4: {  	[hbm:s9], [sflag:s6] =	dma.local [spmem:s11], $0xF00  }
0xa5: {  	_ =	swait.ge [sflag:s12], $0xF00  }
0xa6: {  	[sflag:s12] =	ssyncset.done $0x0  }
0xa7: {  	[sflag:s12] =	ssyncadd.s32 $0xFFFFF100  }
0xa8: {  	_ =	sfence.sel $0x180000  }
0xa9: {  	[bflag:$0x0] =	sbarrier.arrive $0xFFFF  }
0xaa: {  	p0 =	sne.s32 s0, $0x0;
	_ =	strace $0x9000004D  }
0xab: {  	s0 =	sadd.s32 @!p0 $0x100000, s1;
	[bflag:$0x2] =	sbarrier.arrive $0xFFFF  }
0xac: {  	[sflag:s0] =	ssyncadd.tile.s32 @!p0 $0x1;
	_ =	shalt  }
.Lfunc_end2:
_tile_overlayer_lowered:
.L_overlay_start_2:
0xad: {  	(tag) =	ssettag $0x2  }
0xae: {  	s0 =	rddreg [dreg:$0x0];
	s2 =	stileid.u32  }
0xaf: {  	s1 =	rddreg [dreg:$0x1];
	p0 =	sne.s32 s2, $0x0  }
0xb0: {  	s3 =	rddreg [dreg:$0x2];
	[bflag:$0x3] =	sbarrier.arrive $0xFFFF;
	s2 =	simm.s32 @!p0 $0x1C03  }
0xb1: {  	[timem:s3], [sflag:s2] =	dma.local @!p0 [hbm:s0], s1  }
0xb2: {  	s0 =	simm.s32 @!p0 $0x3  }
0xb3: {  	_ =	swait.ge @!p0 [sflag:s0], s1  }
0xb4: {  	s1 =	ssub.s32 @!p0 $0x0, s1;
	[sflag:s0] =	ssyncset.done @!p0 $0x0  }
0xb5: {  	[sflag:s0] =	ssyncadd.s32 @!p0 s1  }
0xb6: {  	[bflag:$0x3] =	sbarrier.arrive $0xFFFF  }
0xb7: {  	_ =	shalt  }

// kernel: kernel.8.cloned.1.call-start
scs
__scs_entry_jumppad:
0x0: {  	(pc) =	sbr.rel $0x88, $3  }
0x1: {  	(tag) =	ssettag $0x0;
	lr =	simm.s32 $0x1  }
0x2: {  	[smem:$0x3F9D] =	sst lr;
	_ =	strace $0xD0000000  }
0x3: {  	_ = 	snop  }
0x4: {  	_ = 	snop  }
0x5: {  	_ = 	snop  }
0x6: {  	_ = 	snop  }
0x7: {  	_ = 	snop  }
__scs_overlays_trampoline_lowered:
0x8: {  	[smem:$0x3FAC] =	sst s0  }
0x9: {  	[smem:$0x3FAD] =	sst s1  }
0xa: {  	[smem:$0x3FAE] =	sst s2  }
0xb: {  	[smem:$0x3FAF] =	sst s3  }
0xc: {  	[smem:$0x3FB0] =	sst s4  }
0xd: {  	[smem:$0x3FB1] =	sst s5  }
0xe: {  	[smem:$0x3FB2] =	sst s6  }
0xf: {  	[smem:$0x3FB3] =	sst s7  }
0x10: {  	[smem:$0x3FB4] =	sst s8  }
0x11: {  	[smem:$0x3FB5] =	sst s9;
	s0 =	simm.s32 @!p0 $0x0  }
0x12: {  	s1 =	sld [smem:$0x3F9B];
	s0 =	simm.s32 @p0 $0x1  }
0x13: {  	[smem:$0x3FB6] =	sst s0;
	s0 =	simm.s32 @!p1 $0x0  }
0x14: {  	s2 =	sld [smem:$0x3F9A];
	s0 =	simm.s32 @p1 $0x1  }
0x15: {  	[smem:$0x3FB7] =	sst s0;
	s0 =	simm.s32 @!p2 $0x0  }
0x16: {  	s3 =	sld [smem:$0x3FDB];
	s0 =	simm.s32 @p2 $0x1  }
0x17: {  	s4 =	simm.s32 $0x1BF5;
	[smem:$0x3FB9] =	sst s0  }
0x18: {  	s0 =	sld [smem:$0x3F9C];
	_ =	swait.ge [sflag:s4], $0x0  }
0x19: {  	s7 =	sld [smem:$0x3F9D]  }
0x1a: {  	s8 =	sadd.s32 $0xFFFFE003, lr  }
0x1b: {  	s9 =	sadd.s32 $0xFFFFFEF7, lr;
	s5 =	simm.s32 $0xFFFFFFFF;
	p2 =	slt.u32 s8, $0xFFFFF086  }
0x1c: {  	p1 =	slt.u32 s9, $0xF7A;
	s5 =	simm.s32 @!p2 $0x0  }
0x1d: {  	s5 =	simm.s32 @p1 $0x1;
	p0 =	seq.s32 s7, s2  }
0x1e: {  	s7 =	smul.u32 @!p0 $0xF7A, s2;
	p2 =	seq.s32 @!p0 s5, $0x0  }
0x1f: {  	s9 =	smul.u32 $0xF7A, s1;
	s8 =	simm.s32 @!p0 $0x1BF5;
	p2 =	por !p2, p0  }
0x20: {  	[sflag:s8] =	ssyncset.s32 @!p0 $0xFFFFF086;
	s6 =	sadd.s32 @!p0 s3, s7;
	s7 =	simm.s32 @!p0 $0x108  }
0x21: {  	s3 =	sadd.s32 s3, s9;
	s6 =	sadd.s32 @!p0 $0x88, s6;
	s7 =	simm.s32 @p2 $0x1082  }
0x22: {  	[simem:s7], [sflag:s8] =	dma.local @!p0 [hbm:s6], $0xF7A  }
0x23: {  	s9 =	sor.u32 $0xD0000000, s2;
	s6 =	simm.s32 $0x108;
	_ =	swait.ge @!p0 [sflag:s8], $0x0  }
0x24: {  	s3 =	sadd.s32 $0x88, s3;
	s6 =	simm.s32 @!p1 $0x1082;
	[sflag:s4] =	ssyncset.s32 $0xFFFFF086  }
0x25: {  	[simem:s6], [sflag:s4] =	dma.local [hbm:s3], $0xF7A  }
0x26: {  	[smem:$0x3F9D] =	sst s1;
	(tag) =	ssettag s2;
	_ =	strace s9  }
0x27: {  	s1 =	sld [smem:$0x3FAD]  }
0x28: {  	s2 =	sld [smem:$0x3FAE]  }
0x29: {  	s4 =	sld [smem:$0x3FB0]  }
0x2a: {  	p0 =	seq.s32 s5, $0x0;
	s5 =	sld [smem:$0x3FB1]  }
0x2b: {  	s6 =	sld [smem:$0x3FB2]  }
0x2c: {  	s7 =	sld [smem:$0x3FB3]  }
0x2d: {  	s3 =	simm.s32 $0x108;
	s8 =	sld [smem:$0x3FB4]  }
0x2e: {  	s3 =	simm.s32 @!p0 $0x1082;
	s9 =	sld [smem:$0x3FB5]  }
0x2f: {  	lr =	sadd.s32 s0, s3;
	s0 =	sld [smem:$0x3FAC]  }
0x30: {  	s3 =	sld [smem:$0x3FAF]  }
0x31: {  	[smem:$0x3FB8] =	sst s10  }
0x32: {  	s10 =	sld [smem:$0x3FB6];
	_ =	sdelay $0x3  }
0x33: {  	p0 =	seq.s32 s10, $0x1;
	s10 =	sld [smem:$0x3FB8];
	_ =	sdelay $0x3  }
0x34: {  	[smem:$0x3FB8] =	sst s10  }
0x35: {  	s10 =	sld [smem:$0x3FB7];
	_ =	sdelay $0x3  }
0x36: {  	p1 =	seq.s32 s10, $0x1;
	s10 =	sld [smem:$0x3FB8];
	_ =	sdelay $0x3  }
0x37: {  	[smem:$0x3FB8] =	sst s10  }
0x38: {  	s10 =	sld [smem:$0x3FB9]  }
0x39: {  	_ = 	snop;
	(pc) =	sbr.ind lr, $3  }
0x3a: {  	_ = 	snop  }
0x3b: {  	_ = 	snop  }
0x3c: {  	p2 =	seq.s32 s10, $0x1;
	s10 =	sld [smem:$0x3FB8]  }
0x3d: {  	_ =	shalt  }
0x3e: {  	_ =	shalt  }
0x3f: {  	_ =	shalt  }
0x40: {  	_ =	shalt  }
0x41: {  	_ =	shalt  }
0x42: {  	_ =	shalt  }
0x43: {  	_ =	shalt  }
0x44: {  	_ =	shalt  }
0x45: {  	_ =	shalt  }
0x46: {  	_ =	shalt  }
0x47: {  	_ =	shalt  }
0x48: {  	_ =	shalt  }
0x49: {  	_ =	shalt  }
0x4a: {  	_ =	shalt  }
0x4b: {  	_ =	shalt  }
0x4c: {  	_ =	shalt  }
0x4d: {  	_ =	shalt  }
0x4e: {  	_ =	shalt  }
0x4f: {  	_ =	shalt  }
0x50: {  	_ =	shalt  }
0x51: {  	_ =	shalt  }
0x52: {  	_ =	shalt  }
0x53: {  	_ =	shalt  }
0x54: {  	_ =	shalt  }
0x55: {  	_ =	shalt  }
0x56: {  	_ =	shalt  }
0x57: {  	_ =	shalt  }
0x58: {  	_ =	shalt  }
0x59: {  	_ =	shalt  }
0x5a: {  	_ =	shalt  }
0x5b: {  	_ =	shalt  }
0x5c: {  	_ =	shalt  }
0x5d: {  	_ =	shalt  }
0x5e: {  	_ =	shalt  }
0x5f: {  	_ =	shalt  }
0x60: {  	_ =	shalt  }
0x61: {  	_ =	shalt  }
0x62: {  	_ =	shalt  }
0x63: {  	_ =	shalt  }
0x64: {  	_ =	shalt  }
0x65: {  	_ =	shalt  }
0x66: {  	_ =	shalt  }
0x67: {  	_ =	shalt  }
0x68: {  	_ =	shalt  }
0x69: {  	_ =	shalt  }
0x6a: {  	_ =	shalt  }
0x6b: {  	_ =	shalt  }
0x6c: {  	_ =	shalt  }
0x6d: {  	_ =	shalt  }
0x6e: {  	_ =	shalt  }
0x6f: {  	_ =	shalt  }
0x70: {  	_ =	shalt  }
0x71: {  	_ =	shalt  }
0x72: {  	_ =	shalt  }
0x73: {  	_ =	shalt  }
0x74: {  	_ =	shalt  }
0x75: {  	_ =	shalt  }
0x76: {  	_ =	shalt  }
0x77: {  	_ =	shalt  }
0x78: {  	_ =	shalt  }
0x79: {  	_ =	shalt  }
0x7a: {  	_ =	shalt  }
0x7b: {  	_ =	shalt  }
0x7c: {  	_ =	shalt  }
0x7d: {  	_ =	shalt  }
0x7e: {  	_ =	shalt  }
0x7f: {  	_ =	shalt  }
0x80: {  	_ =	shalt  }
0x81: {  	_ =	shalt  }
0x82: {  	_ =	shalt  }
0x83: {  	_ =	shalt  }
0x84: {  	_ =	shalt  }
0x85: {  	_ =	shalt  }
0x86: {  	_ =	shalt  }
0x87: {  	_ =	shalt  }
.Lfunc_end0:
.L_simem_size_0:
called_computation_lowered:
.L_overlay_start_0:
0x88: {  	s2 =	sld [smem:$0x3FD9]  }
0x89: {  	s3 =	sld [smem:$0x3FFE];
	_ =	sdelay $0x1  }
0x8a: {  	s1 =	srdreg.scid  }
0x8b: {  	s0 =	sand.u32 $0x1, s1  }
0x8c: {  	s17 =	sshll.u32 s0, $0xA;
	s2 =	sadd.s32 s3, s2  }
0x8d: {  	s2 =	sadd.s32 s2, s17  }
0x8e: {  	[smem:$0x3FC4] =	sst s2  }
0x8f: {  	_ = 	snop  }
0x90: {  	s2 =	sld [smem:$0x3FD0];
	(tm) =	ssettm $0x1  }
0x91: {  	s18 =	sld [smem:$0x3FFB];
	_ =	sdelay $0x3  }
0x92: {  	_ =	strace s18  }
0x93: {  	s3 =	sld [smem:$0x3FFC];
	_ =	sdelay $0x3  }
0x94: {  	_ =	strace s3  }
0x95: {  	s3 =	sld [smem:$0x3FFD];
	_ =	sdelay $0x3  }
0x96: {  	_ =	strace s3  }
0x97: {  	_ =	strace $0x8FFFFFFF  }
0x98: {  	s19 =	sld [smem:$0x3FDB];
	_ =	sdelay $0x1  }
0x99: {  	s4 =	simm.s32 $_scs_section_size  }
0x9a: {  	s5 =	simm.s32 $_size__tile_overlayer_lowered;
	s6 =	simm.s32 $_tile_overlayer_lowered  }
0x9b: {  	s22 =	simm.s32 $0x1BFF;
	s21 =	sshll.u32 s6, $0x1;
	s3 =	sadd.s32 s4, s19  }
0x9c: {  	s7 =	simm.s32 $0x0;
	s20 =	sshll.u32 s5, $0x1;
	s5 =	sadd.s32 s21, s3  }
0x9d: {  	[timem:s7], [sflag:s22] =	dma.local [hbm:s5], s20  }
0x9e: {  	_ =	swait.ge [sflag:s22], s20  }
0x9f: {  	s4 =	ssub.s32 $0x0, s20;
	[sflag:s22] =	ssyncset.done $0x0  }
0xa0: {  	[sflag:s22] =	ssyncadd.s32 s4;
	_ =	sdelay $0x1  }
0xa1: {  	s23 =	simm.s32 $0x1B8B  }
0xa2: {  	_ =	swait.ge [sflag:s23], $0x1  }
0xa3: {  	[sflag:s23] =	ssyncset.done $0x0  }
0xa4: {  	s25 =	simm.s32 $0x1B8E;
	s24 =	sld [smem:$0x3FFE];
	[sflag:s23] =	ssyncadd.s32 $0xFFFFFFFF  }
0xa5: {  	s26 =	simm.s32 $execute0_lowered;
	[smem:$0x3FD2] =	sst s25  }
0xa6: {  	s5 =	sshll.u32 s26, $0x1;
	_ =	strace $0x80000046;
	[dreg:$0x1] =	wrdreg $0xFFFFFFFF  }
0xa7: {  	s28 =	simm.s32 $_size_execute0_lowered;
	s3 =	sadd.s32 s3, s5;
	[dreg:$0x0] =	wrdreg $0x0  }
0xa8: {  	s5 =	sshll.u32 s28, $0x1;
	[dreg:$0x2] =	wrdreg s3  }
0xa9: {  	[dreg:$0x3] =	wrdreg s5  }
0xaa: {  	[dreg:$0x4] =	wrdreg $0xC0  }
0xab: {  	_ =	task [dreg:s7], $0x5FFFF  }
0xac: {  	[dreg:$0x1] =	wrdreg $0xFFFFFFFF  }
0xad: {  	[dreg:$0x0] =	wrdreg $0x60  }
0xae: {  	[dreg:$0x2] =	wrdreg s2  }
0xaf: {  	[dreg:$0x3] =	wrdreg s24  }
0xb0: {  	[dreg:$0x4] =	wrdreg $0x2C000  }
0xb1: {  	[dreg:$0x5] =	wrdreg $0x9  }
0xb2: {  	_ =	task.clear_ibuf [dreg:s7], $0x6FFFF;
	_ =	strace $0x90000046  }
0xb3: {  	s29 =	simm.s32 $0x9;
	_ =	strace $0x80000048  }
0xb4: {  	_ =	swait.ge [sflag:s29], $0x1  }
0xb5: {  	[sflag:s29] =	ssyncadd.s32 $0xFFFFFFFF  }
0xb6: {  	_ =	strace $0x90000048  }
0xb7: {  	_ =	sfence  }
0xb8: {  	s30 =	sld [smem:$0x0];
	_ =	sdelay $0x2  }
0xb9: {  	s31 =	sshll.u32 s1, $0xD;
	s1 =	sshrl.u32 s1, $0x2  }
0xba: {  	s3 =	sand.u32 $0x4000, s31;
	s1 =	sadd.s32 s1, s30  }
0xbb: {  	s0 =	sor.u32 s3, s0;
	s1 =	sshll.u32 s1, $0x11  }
0xbc: {  	s0 =	sor.u32 s1, s0  }
0xbd: {  	s0 =	sadd.s32 $0x8F2B, s0  }
0xbe: {  	[sflag:s0] =	ssyncadd.remote.s32 $0x1  }
0xbf: {  	_ =	sfence.sel $0xFFFF  }
0xc0: {  	[dreg:$0x0] =	wrdreg $0xFFFFFFFF;
	(pc) =	sbr.abs _section_cstart, $3  }
0xc1: {  	[dreg:$0x1] =	wrdreg $0xFFFFFFFF  }
0xc2: {  	_ =	task.clear_ibuf [dreg:s7], $0x2FFFF;
	_ =	strace $0x9FFFFFFF  }
0xc3: {  	(tm) =	ssettm $0x7FFFFFFF  }
tec
execute0_lowered:
.L_overlay_start_1:
0x0: {  	(tag) =	ssettag $0x1  }
0x1: {  	s7 =	rddreg [dreg:$0x0]  }
0x2: {  	s5 =	rddreg [dreg:$0x1]  }
0x3: {  	s2 =	rddreg [dreg:$0x2];
	s0 =	stileid.u32  }
0x4: {  	s4 =	srdreg.scid;
	s1 =	rddreg [dreg:$0x3]  }
0x5: {  	s3 =	simm.s32 $0x0;
	s13 =	simm.s32 $0x80;
	s14 =	simm.s32 $0x0  }
0x6: {  	s6 =	smul.u32 $0x1400, s0;
	s8 =	sand.u32 $0x1, s4;
	[smem:$0x7FF] =	sst s3  }
0x7: {  	s4 =	sadd.s32 $0x3400, s5;
	s31 =	sshll.u32 s0, $0x6;
	s10 =	smul.u32 $0x14000, s8  }
0x8: {  	_ =	strace $0x80000047;
	s11 =	ssub.s32 $0x2, s8;
	s8 =	sshll.u32 s8, $0x4  }
0x9: {  	s9 =	sshrl.u32 s6, $0x3;
	s12 =	sshrl.u32 s11, $0x1;
	s8 =	sor.u32 s0, s8  }
0xa: {  	s30 =	sadd.s32 s6, s2;
	s9 =	sadd.s32 s9, s5;
	s10 =	sadd.s32 s6, s10  }
0xb: {  	s11 =	ssub.s32 s11, s12;
	s8 =	smul.u32 $0x500, s8;
	s10 =	sshrl.u32 s10, $0x3  }
0xc: {  	s6 =	sor.u32 $0x1C01, s31;
	s12 =	simm.s32 $0x2800;
	s10 =	sadd.s32 s10, s5  }
0xd: {  	s5 =	sadd.s32 $0xC00, s9;
	s7 =	sadd.s32 s7, s8;
	s9 =	smax.u32 s11, $0x1  }
0xe: {  	s11 =	simm.s32 $0x1;
	s8 =	sadd.s32 $0x3600, s10;
	s10 =	sshrl.u32 s30, $0x3  }
.LBB2_1:
0xf: {  	[spmem:s10], [sflag:s6] =	dma.local [hbm:s5], $0x280  }
0x10: {  	_ =	swait.ge [sflag:s11], $0x280  }
0x11: {  	[sflag:s11] =	ssyncset.done $0x0  }
0x12: {  	[sflag:s11] =	ssyncadd.s32 $0xFFFFFD80  }
0x13: {  	[tilespmem:s12], [sflag:$0x1] =	stream.linear.gather [hbm4b:s4+s3], $0x400, $0x38;
	[tilespmem:$0x4000] =	vst v63  }
0x14: {  	_ =	swait.ge [sflag:s11], $0x400  }
0x15: {  	[sflag:s11] =	ssyncset.done $0x0  }
0x16: {  	[sflag:s11] =	ssyncadd.s32 $0xFFFFFC00  }
0x17: {  	[tilespmem:s3], [sflag:$0x1] =	stream.linear.gather [hbm4b:s7+s3], $0x2800, $0x38;
	[tilespmem:$0x4000] =	vst v63  }
0x18: {  	_ =	swait.ge [sflag:s11], $0x2800  }
0x19: {  	[sflag:s11] =	ssyncset.done $0x0  }
0x1a: {  	[sflag:s11] =	ssyncadd.s32 $0xFFFFD800  }
0x1b: {  	s15 =	simm.s32 $0x0;
	[bflag:$0x0] =	sbarrier.arrive $0xFFFF  }
0x1c: {  	[spmem:s2] =	stream.indirect.scatter.add.f32 [tilespmem:s12], [sflag:$0x1], $0x8, s15, s13, $0xb8;
	[tilespmem:$0x4000] =	vst v63  }
0x1d: {  	_ =	swait.ge [sflag:s11], $0x400  }
0x1e: {  	s15 =	simm.s32 $0x200;
	[sflag:s11] =	ssyncset.done $0x0  }
.LBB2_2:
0x1f: {  	s16 =	sshra.s32 s15, $0x2;
	[sflag:s11] =	ssyncadd.s32 $0xFFFFFC00;
	p0 =	sne.s32 s15, $0x9E00  }
0x20: {  	[spmem:s2] =	stream.indirect.scatter.add.f32 [tilespmem:s12], [sflag:$0x1], $0x8, s16, s13, $0xb8;
	[tilespmem:$0x4000] =	vst v63  }
.Ltmp0:
0x21: {  	_ = 	snop;
	(pc) =	sbr.rel @p0 .LBB2_2-.Ltmp0, $4  }
0x22: {  	_ = 	snop  }
0x23: {  	s15 =	sadd.s32 $0x200, s15  }
0x24: {  	_ =	swait.ge [sflag:s11], $0x400  }
0x25: {  	[sflag:s11] =	ssyncset.done $0x0  }
0x26: {  	[sflag:s11] =	ssyncadd.s32 $0xFFFFFC00  }
0x27: {  	[bflag:$0x0] =	sbarrier.arrive $0xFFFF  }
0x28: {  	_ =	sdelay $0x7ff  }
0x29: {  	_ =	sdelay $0x7ff  }
0x2a: {  	_ =	sdelay $0x7ff  }
0x2b: {  	_ =	sdelay $0x7ff  }
0x2c: {  	_ =	sdelay $0x7ff  }
0x2d: {  	_ =	sdelay $0x7ff  }
0x2e: {  	_ =	sdelay $0x7ff  }
0x2f: {  	s14 =	sadd.s32 $0x1, s14;
	_ =	sdelay $0x7ff  }
0x30: {  	p0 =	sne.s32 s14, s9;
	_ =	sdelay $0x7  }
.Ltmp1:
0x31: {  	[bflag:$0x0] =	sbarrier.arrive $0xFFFF;
	(pc) =	sbr.rel @p0 .LBB2_1-.Ltmp1, $4  }
0x32: {  	[hbm:s8], [sflag:s6] =	dma.local [spmem:s10], $0x280  }
0x33: {  	_ =	swait.ge [sflag:s11], $0x280  }
0x34: {  	[sflag:s11] =	ssyncset.done $0x0  }
0x35: {  	[sflag:s11] =	ssyncadd.s32 $0xFFFFFD80  }
0x36: {  	_ =	sfence.sel $0x180000  }
0x37: {  	[bflag:$0x0] =	sbarrier.arrive $0xFFFF  }
0x38: {  	p0 =	sne.s32 s0, $0x0;
	_ =	strace $0x90000047  }
0x39: {  	s0 =	sadd.s32 @!p0 $0x100000, s1;
	[bflag:$0x2] =	sbarrier.arrive $0xFFFF  }
0x3a: {  	[sflag:s0] =	ssyncadd.tile.s32 @!p0 $0x1;
	_ =	shalt  }
.Lfunc_end2:
_tile_overlayer_lowered:
.L_overlay_start_2:
0x3b: {  	(tag) =	ssettag $0x2  }
0x3c: {  	s0 =	rddreg [dreg:$0x0];
	s2 =	stileid.u32  }
0x3d: {  	s1 =	rddreg [dreg:$0x1];
	p0 =	sne.s32 s2, $0x0  }
0x3e: {  	s3 =	rddreg [dreg:$0x2];
	[bflag:$0x3] =	sbarrier.arrive $0xFFFF;
	s2 =	simm.s32 @!p0 $0x1C01  }
0x3f: {  	[timem:s3], [sflag:s2] =	dma.local @!p0 [hbm:s0], s1  }
0x40: {  	s0 =	simm.s32 @!p0 $0x1  }
0x41: {  	_ =	swait.ge @!p0 [sflag:s0], s1  }
0x42: {  	s1 =	ssub.s32 @!p0 $0x0, s1;
	[sflag:s0] =	ssyncset.done @!p0 $0x0  }
0x43: {  	[sflag:s0] =	ssyncadd.s32 @!p0 s1  }
0x44: {  	[bflag:$0x3] =	sbarrier.arrive $0xFFFF  }
0x45: {  	_ =	shalt  }

</sc_bundles>
